<compile_context>
chip_gen: v7x
topology: tpu7x:2x2x1
jax: 0.10.2.dev20260603
libtpu: 0.0.44.dev20260713+nightly
codegen_flags: <defaults>
</compile_context>

<pallas_src>
import functools

import jax
import jax.numpy as jnp
from jax import lax
from jax.experimental import pallas as pl
from jax.experimental.pallas import tpu as pltpu
from jax.experimental.pallas import tpu_sc as plsc

_COMMITMENT_COST = 0.25
_TILE = 2048


def _conv2d(x, w, padding=1):
    return lax.conv_general_dilated(
        x, w, (1, 1), [(padding, padding), (padding, padding)],
        dimension_numbers=('NCHW', 'OIHW', 'NCHW'))


def _maxpool2(x):
    return lax.reduce_window(x, -jnp.inf, lax.max, (1, 1, 2, 2), (1, 1, 2, 2),
                             'VALID')


def _upsample2(x):
    B, C, H, W = x.shape
    return jax.image.resize(x, (B, C, 2 * H, 2 * W), method='bilinear')


def _vq_tc_body(flat_ref, nege2_ref, embsq_ref, idx_ref, counts_ref,
                losssum_ref):
    step = pl.program_id(0)
    flat = flat_ref[...]
    nege2 = nege2_ref[...]
    k = nege2.shape[0]
    mm2 = lax.dot_general(flat, nege2, (((1,), (1,)), ((), ())))
    rn = jnp.sum(flat * flat, axis=1)
    dist = (rn[:, None] + embsq_ref[...]) + mm2
    m = jnp.min(dist, axis=1)
    iota = lax.broadcasted_iota(jnp.int32, dist.shape, 1)
    idx = jnp.min(jnp.where(dist == m[:, None], iota, k), axis=1)
    onehot = (iota == idx[:, None]).astype(jnp.float32)
    ones = jnp.ones((1, flat.shape[0]), jnp.float32)
    tile_counts = lax.dot_general(ones, onehot,
                                  (((1,), (0,)), ((), ())))
    tile_loss = jnp.sum(m)

    @pl.when(step == 0)
    def _():
        counts_ref[...] = jnp.zeros_like(counts_ref)
        losssum_ref[...] = jnp.zeros_like(losssum_ref)

    idx_ref[...] = idx
    counts_ref[...] += tile_counts
    losssum_ref[...] += tile_loss


def _vq_pallas(flat, emb):
    n, d = flat.shape
    k = emb.shape[0]
    nege2 = -2.0 * emb
    embsq = jnp.sum(emb ** 2, axis=1)[None, :]
    grid = (n // _TILE,)
    return pl.pallas_call(
        _vq_tc_body,
        grid=grid,
        in_specs=[
            pl.BlockSpec((_TILE, d), lambda i: (i, 0)),
            pl.BlockSpec((k, d), lambda i: (0, 0)),
            pl.BlockSpec((1, k), lambda i: (0, 0)),
        ],
        out_specs=[
            pl.BlockSpec((_TILE,), lambda i: (i,)),
            pl.BlockSpec((1, k), lambda i: (0, 0)),
            pl.BlockSpec((1, 1), lambda i: (0, 0)),
        ],
        out_shape=[
            jax.ShapeDtypeStruct((n,), jnp.int32),
            jax.ShapeDtypeStruct((1, k), jnp.float32),
            jax.ShapeDtypeStruct((1, 1), jnp.float32),
        ],
        compiler_params=pltpu.CompilerParams(
            dimension_semantics=("arbitrary",)),
    )(flat, nege2, embsq)


def _sc_gather(emb_pad, idx3d):
    info = plsc.get_sparse_core_info()
    nw, lanes, chunks = idx3d.shape[0], idx3d.shape[2], idx3d.shape[1]
    dp = emb_pad.shape[1]
    b = nw * chunks * lanes
    mesh = plsc.VectorSubcoreMesh(core_axis_name="c", subcore_axis_name="s")

    @functools.partial(
        pl.kernel, mesh=mesh,
        out_type=jax.ShapeDtypeStruct((b, dp), jnp.float32),
        scratch_types=[
            pltpu.VMEM_SHARED((emb_pad.shape[0], dp), jnp.float32),
            pltpu.VMEM((chunks, lanes), jnp.int32),
            pltpu.VMEM((lanes, dp), jnp.float32),
            pltpu.VMEM((lanes, dp), jnp.float32),
            pltpu.SemaphoreType.DMA,
            pltpu.SemaphoreType.DMA,
            pltpu.SemaphoreType.DMA,
        ],
    )
    def k(table_hbm, idx_hbm, out_hbm, table_sh, idx_v, rows0, rows1,
          gsem, wsem0, wsem1):
        wid = lax.axis_index("s") * info.num_cores + lax.axis_index("c")
        @pl.when(lax.axis_index("s") == 0)
        def _():
            pltpu.sync_copy(table_hbm, table_sh)
        plsc.subcore_barrier()
        pltpu.sync_copy(idx_hbm.at[wid], idx_v)

        bufs = (rows0, rows1)
        wsems = (wsem0, wsem1)
        gh = {0: pltpu.async_copy(table_sh.at[idx_v.at[0]], rows0, gsem)}
        wh = {}
        for c in range(chunks):
            buf = bufs[c % 2]
            gh[c].wait()
            wh[c] = pltpu.async_copy(
                buf, out_hbm.at[pl.ds((wid * chunks + c) * lanes, lanes)],
                wsems[c % 2])
            if c + 1 < chunks:
                if c >= 1:
                    wh[c - 1].wait()
                gh[c + 1] = pltpu.async_copy(
                    table_sh.at[idx_v.at[c + 1]], bufs[(c + 1) % 2], gsem)
        wh[chunks - 1].wait()

    return k(emb_pad, idx3d)


def kernel(x, enc_w1, enc_w2, pre_w, pre_b, emb, dec_w1, dec_w2, dec_w3):
    h = _maxpool2(jax.nn.relu(_conv2d(x, enc_w1)))
    h = _maxpool2(jax.nn.relu(_conv2d(h, enc_w2)))
    z = _conv2d(h, pre_w, padding=0) + pre_b[None, :, None, None]

    inputs = jnp.transpose(z, (0, 2, 3, 1))
    bs, hh, ww, cc = inputs.shape
    flat = inputs.reshape(-1, cc)
    n = flat.shape[0]

    idx, counts, losssum = _vq_pallas(flat, emb)
    emb_pad = jnp.pad(emb, ((0, 0), (0, 128 - cc)))
    quantized_flat = _sc_gather(emb_pad, idx.reshape(32, -1, 128))[:, :cc]

    loss = (1.0 + _COMMITMENT_COST) * (losssum[0, 0] / (n * cc))
    avg_probs = counts[0] / n
    perplexity = jnp.exp(-jnp.sum(avg_probs * jnp.log(avg_probs + 1e-10)))

    q_nchw = jnp.transpose(quantized_flat.reshape(bs, hh, ww, cc),
                           (0, 3, 1, 2))
    d = _upsample2(jax.nn.relu(_conv2d(q_nchw, dec_w1)))
    d = _upsample2(jax.nn.relu(_conv2d(d, dec_w2)))
    x_recon = _conv2d(d, dec_w3)
    return loss, x_recon, perplexity

# --- scband reference (transcript-rebuilt; emitter-appended) ---
"""Pipeline reference for scband-vqvae-13099650253069 (READ-ONLY COPY).

The authoritative reference and input builder live on the scoring server;
editing this copy changes nothing except your own understanding.
"""

import jax, jax.numpy as jnp
import numpy as np

COMMITMENT_COST = 0.25

def conv2d(x, w, padding=1):
    return jax.lax.conv_general_dilated(x, w, (1, 1), [(padding, padding), (padding, padding)], dimension_numbers=('NCHW', 'OIHW', 'NCHW'))

def maxpool2(x):
    return jax.lax.reduce_window(x, -jnp.inf, jax.lax.max, (1, 1, 2, 2), (1, 1, 2, 2), 'VALID')

def upsample2(x):
    B, C, H, W = x.shape
    return jax.image.resize(x, (B, C, 2 * H, 2 * W), method='bilinear')

def setup_inputs(seed: int = 0) -> dict:
    key = jax.random.key(seed)
    ks = jax.random.split(key, 10)
    x = jax.random.normal(ks[0], (4, 1, 384, 384), dtype=jnp.float32)
    def w(k, shape):
        fan_in = shape[1] * shape[2] * shape[3]
        return jax.random.normal(k, shape, dtype=jnp.float32) * (1.0 / np.sqrt(fan_in))
    enc_w1 = w(ks[1], (16, 1, 3, 3))
    enc_w2 = w(ks[2], (8, 16, 3, 3))
    pre_w = w(ks[3], (64, 8, 1, 1))
    pre_b = jnp.zeros((64,), dtype=jnp.float32)
    emb = jax.random.uniform(ks[4], (1024, 64), dtype=jnp.float32, minval=-1.0 / 1024, maxval=1.0 / 1024)
    dec_w1 = w(ks[5], (8, 64, 3, 3))
    dec_w2 = w(ks[6], (16, 8, 3, 3))
    dec_w3 = w(ks[7], (1, 16, 3, 3))
    return {"x": x, "enc_w1": enc_w1, "enc_w2": enc_w2, "pre_w": pre_w, "pre_b": pre_b, "emb": emb, "dec_w1": dec_w1, "dec_w2": dec_w2, "dec_w3": dec_w3}

def vq(z, emb):
    inputs = jnp.transpose(z, (0, 2, 3, 1))
    input_shape = inputs.shape
    flat = inputs.reshape(-1, emb.shape[1])
    distances = jnp.sum(flat ** 2, axis=1, keepdims=True) + jnp.sum(emb ** 2, axis=1) - 2.0 * (flat @ emb.T)
    idx = jnp.argmin(distances, axis=1)
    N = flat.shape[0]
    encodings = jnp.zeros((N, emb.shape[0]), dtype=flat.dtype).at[jnp.arange(N), idx].set(1.0)
    quantized = (encodings @ emb).reshape(input_shape)
    e_latent_loss = jnp.mean((jax.lax.stop_gradient(quantized) - inputs) ** 2)
    q_latent_loss = jnp.mean((quantized - jax.lax.stop_gradient(inputs)) ** 2)
    loss = q_latent_loss + COMMITMENT_COST * e_latent_loss
    quantized_st = inputs + jax.lax.stop_gradient(quantized - inputs)
    avg_probs = jnp.mean(encodings, axis=0)
    perplexity = jnp.exp(-jnp.sum(avg_probs * jnp.log(avg_probs + 1e-10)))
    return loss, jnp.transpose(quantized_st, (0, 3, 1, 2)), perplexity

def forward(x, enc_w1, enc_w2, pre_w, pre_b, emb, dec_w1, dec_w2, dec_w3):
    # Encoder
    h = maxpool2(jax.nn.relu(conv2d(x, enc_w1)))
    h = maxpool2(jax.nn.relu(conv2d(h, enc_w2)))
    # pre-VQ 1x1 conv
    z = conv2d(h, pre_w, padding=0) + pre_b[None, :, None, None]
    loss, quantized, perplexity = vq(z, emb)
    # Decoder
    d = upsample2(jax.nn.relu(conv2d(quantized, dec_w1)))
    d = upsample2(jax.nn.relu(conv2d(d, dec_w2)))
    x_recon = conv2d(d, dec_w3)
    return loss, x_recon, perplexity

def reference(x, enc_w1, enc_w2, pre_w, pre_b, emb, dec_w1, dec_w2, dec_w3):
    return forward(x, enc_w1, enc_w2, pre_w, pre_b, emb, dec_w1, dec_w2, dec_w3)

if __name__ == "__main__":
    import jax
    _d = setup_inputs()
    print(jax.jit(kernel)(*tuple(_d.values())))

</pallas_src>

<mosaic_0001>
#map = affine_map<(d0, d1) -> (0, 0)>
#map1 = affine_map<(d0, d1) -> (0, 0, 0)>
module attributes {stable_mosaic.version = 14 : i64} {
  func.func @k(%arg0: i32, %arg1: i32, %arg2: memref<1024x128xf32, #tpu.memory_space<hbm>>, %arg3: memref<32x9x128xi32, #tpu.memory_space<hbm>>, %arg4: memref<36864x128xf32, #tpu.memory_space<hbm>>, %arg5: memref<1024x128xf32, #tpu.memory_space<vmem_shared>>, %arg6: memref<9x128xi32, #tpu.memory_space<vmem>>, %arg7: memref<128x128xf32, #tpu.memory_space<vmem>>, %arg8: memref<128x128xf32, #tpu.memory_space<vmem>>, %arg9: memref<!tpu.dma_semaphore, #tpu.memory_space<semaphore_mem>>, %arg10: memref<!tpu.dma_semaphore, #tpu.memory_space<semaphore_mem>>, %arg11: memref<!tpu.dma_semaphore, #tpu.memory_space<semaphore_mem>>) attributes {dimension_semantics = [#tpu.dimension_semantics<core_parallel>, #tpu.dimension_semantics<subcore_parallel>], iteration_bounds = array<i64: 2, 16>, scalar_prefetch = 0 : i64, scratch_operands = 7 : i64, tpu.core_type = #tpu.core_type<sc_vector_subcore>, window_params = [{transform_indices = #map}, {transform_indices = #map1}, {transform_indices = #map}]} {
    %mul3A = arith.constant 2 : i32
    %mul3A_0 = arith.muli %arg1, %mul3A : i32
    %add3A = arith.addi %mul3A_0, %arg0 : i32
    %eq3A = arith.constant 0 : i32
    %eq3A_1 = arith.cmpi eq, %arg1, %eq3A : i32
    %convert_element_type3A = arith.extui %eq3A_1 : i1 to i32
    %cond3A = arith.constant 0 : i32
    %cond3A_2 = arith.cmpi ne, %convert_element_type3A, %cond3A : i32
    scf.if %cond3A_2 {
      "tpu.region"() ({
        %run_scoped3A = tpu.sem_alloc : memref<!tpu.dma_semaphore, #tpu.memory_space<semaphore_mem>>
        tpu.enqueue_dma source(%arg2 : memref<1024x128xf32, #tpu.memory_space<hbm>>) target(%arg5 : memref<1024x128xf32, #tpu.memory_space<vmem_shared>>) target_semaphore(%run_scoped3A : memref<!tpu.dma_semaphore, #tpu.memory_space<semaphore_mem>>)
        tpu.wait_dma2 semaphore(%run_scoped3A : memref<!tpu.dma_semaphore, #tpu.memory_space<semaphore_mem>>) src(%arg2 : memref<1024x128xf32, #tpu.memory_space<hbm>>) dst(%arg5 : memref<1024x128xf32, #tpu.memory_space<vmem_shared>>)
        tpu.yield
      }) : () -> ()
    } else {
    }
    %barrier3A = arith.constant 0 : index
    tpu.barrier barrier_id(%barrier3A)
    "tpu.region"() ({
      %run_scoped3A = tpu.sem_alloc : memref<!tpu.dma_semaphore, #tpu.memory_space<semaphore_mem>>
      %dma_start3A_249 = arith.constant 0 : i32
      %dma_start3A_250 = arith.constant 0 : i32
      %dma_start3A_251 = tpu.memref_slice %arg3[%add3A, %dma_start3A_249, %dma_start3A_250] : memref<32x9x128xi32, #tpu.memory_space<hbm>> -> memref<1x9x128xi32, #tpu.memory_space<hbm>>
      %dma_start3A_252 = tpu.memref_squeeze %dma_start3A_251 : memref<1x9x128xi32, #tpu.memory_space<hbm>> -> memref<9x128xi32, #tpu.memory_space<hbm>>
      %dma_start3A_253 = arith.constant 0 : i32
      %dma_start3A_254 = arith.constant 0 : i32
      %dma_start3A_255 = tpu.memref_slice %arg3[%add3A, %dma_start3A_253, %dma_start3A_254] : memref<32x9x128xi32, #tpu.memory_space<hbm>> -> memref<1x9x128xi32, #tpu.memory_space<hbm>>
      %dma_start3A_256 = tpu.memref_squeeze %dma_start3A_255 : memref<1x9x128xi32, #tpu.memory_space<hbm>> -> memref<9x128xi32, #tpu.memory_space<hbm>>
      tpu.enqueue_dma source(%dma_start3A_256 : memref<9x128xi32, #tpu.memory_space<hbm>>) target(%arg6 : memref<9x128xi32, #tpu.memory_space<vmem>>) target_semaphore(%run_scoped3A : memref<!tpu.dma_semaphore, #tpu.memory_space<semaphore_mem>>)
      %dma_wait3A_257 = arith.constant 0 : i32
      %dma_wait3A_258 = arith.constant 0 : i32
      %dma_wait3A_259 = tpu.memref_slice %arg3[%add3A, %dma_wait3A_257, %dma_wait3A_258] : memref<32x9x128xi32, #tpu.memory_space<hbm>> -> memref<1x9x128xi32, #tpu.memory_space<hbm>>
      %dma_wait3A_260 = tpu.memref_squeeze %dma_wait3A_259 : memref<1x9x128xi32, #tpu.memory_space<hbm>> -> memref<9x128xi32, #tpu.memory_space<hbm>>
      %dma_wait3A_261 = arith.constant 0 : i32
      %dma_wait3A_262 = arith.constant 0 : i32
      %dma_wait3A_263 = tpu.memref_slice %arg3[%add3A, %dma_wait3A_261, %dma_wait3A_262] : memref<32x9x128xi32, #tpu.memory_space<hbm>> -> memref<1x9x128xi32, #tpu.memory_space<hbm>>
      %dma_wait3A_264 = tpu.memref_squeeze %dma_wait3A_263 : memref<1x9x128xi32, #tpu.memory_space<hbm>> -> memref<9x128xi32, #tpu.memory_space<hbm>>
      tpu.wait_dma2 semaphore(%run_scoped3A : memref<!tpu.dma_semaphore, #tpu.memory_space<semaphore_mem>>) src(%dma_wait3A_264 : memref<9x128xi32, #tpu.memory_space<hbm>>) dst(%arg6 : memref<9x128xi32, #tpu.memory_space<vmem>>)
      tpu.yield
    }) : () -> ()
    %dma_start3A = arith.constant 0 : i32
    %dma_start3A_3 = arith.constant 0 : i32
    %dma_start3A_4 = tpu.memref_slice %arg6[%dma_start3A, %dma_start3A_3] : memref<9x128xi32, #tpu.memory_space<vmem>> -> memref<1x128xi32, #tpu.memory_space<vmem>>
    %dma_start3A_5 = tpu.memref_squeeze %dma_start3A_4 : memref<1x128xi32, #tpu.memory_space<vmem>> -> memref<128xi32, #tpu.memory_space<vmem>>
    %dma_start3A_6 = arith.constant 0 : i32
    %dma_start3A_7 = arith.constant 0 : i32
    %dma_start3A_8 = tpu.memref_slice %arg5[%dma_start3A_6, %dma_start3A_7] : memref<1024x128xf32, #tpu.memory_space<vmem_shared>> -> memref<1024x128xf32, #tpu.memory_space<vmem_shared>>
    tpu.enqueue_indirect_dma source(%dma_start3A_8 : memref<1024x128xf32, #tpu.memory_space<vmem_shared>>) target(%arg7 : memref<128x128xf32, #tpu.memory_space<vmem>>) offsets(%dma_start3A_5 : memref<128xi32, #tpu.memory_space<vmem>>) semaphore(%arg9 : memref<!tpu.dma_semaphore, #tpu.memory_space<semaphore_mem>>)
    %dma_wait3A = arith.constant 0 : i32
    %dma_wait3A_9 = arith.constant 0 : i32
    %dma_wait3A_10 = tpu.memref_slice %arg6[%dma_wait3A, %dma_wait3A_9] : memref<9x128xi32, #tpu.memory_space<vmem>> -> memref<1x128xi32, #tpu.memory_space<vmem>>
    %dma_wait3A_11 = tpu.memref_squeeze %dma_wait3A_10 : memref<1x128xi32, #tpu.memory_space<vmem>> -> memref<128xi32, #tpu.memory_space<vmem>>
    %dma_wait3A_12 = arith.constant 0 : i32
    %dma_wait3A_13 = arith.constant 0 : i32
    %dma_wait3A_14 = tpu.memref_slice %arg5[%dma_wait3A_12, %dma_wait3A_13] : memref<1024x128xf32, #tpu.memory_space<vmem_shared>> -> memref<1024x128xf32, #tpu.memory_space<vmem_shared>>
    tpu.wait_indirect_dma semaphore(%arg9 : memref<!tpu.dma_semaphore, #tpu.memory_space<semaphore_mem>>) src(%dma_wait3A_14 : memref<1024x128xf32, #tpu.memory_space<vmem_shared>>) dst(%arg7 : memref<128x128xf32, #tpu.memory_space<vmem>>)
    %mul3A_15 = arith.constant 9 : i32
    %mul3A_16 = arith.muli %add3A, %mul3A_15 : i32
    %add3A_17 = arith.constant 0 : i32
    %add3A_18 = arith.addi %mul3A_16, %add3A_17 : i32
    %mul3A_19 = arith.constant 128 : i32
    %mul3A_20 = arith.muli %add3A_18, %mul3A_19 : i32
    %dma_start3A_21 = arith.constant 0 : i32
    %dma_start3A_22 = tpu.memref_slice %arg4[%mul3A_20, %dma_start3A_21] : memref<36864x128xf32, #tpu.memory_space<hbm>> -> memref<128x128xf32, #tpu.memory_space<hbm>>
    %dma_start3A_23 = arith.constant 0 : i32
    %dma_start3A_24 = tpu.memref_slice %arg4[%mul3A_20, %dma_start3A_23] : memref<36864x128xf32, #tpu.memory_space<hbm>> -> memref<128x128xf32, #tpu.memory_space<hbm>>
    tpu.enqueue_dma source(%arg7 : memref<128x128xf32, #tpu.memory_space<vmem>>) target(%dma_start3A_24 : memref<128x128xf32, #tpu.memory_space<hbm>>) target_semaphore(%arg10 : memref<!tpu.dma_semaphore, #tpu.memory_space<semaphore_mem>>)
    %dma_start3A_25 = arith.constant 1 : i32
    %dma_start3A_26 = arith.constant 0 : i32
    %dma_start3A_27 = tpu.memref_slice %arg6[%dma_start3A_25, %dma_start3A_26] : memref<9x128xi32, #tpu.memory_space<vmem>> -> memref<1x128xi32, #tpu.memory_space<vmem>>
    %dma_start3A_28 = tpu.memref_squeeze %dma_start3A_27 : memref<1x128xi32, #tpu.memory_space<vmem>> -> memref<128xi32, #tpu.memory_space<vmem>>
    %dma_start3A_29 = arith.constant 0 : i32
    %dma_start3A_30 = arith.constant 0 : i32
    %dma_start3A_31 = tpu.memref_slice %arg5[%dma_start3A_29, %dma_start3A_30] : memref<1024x128xf32, #tpu.memory_space<vmem_shared>> -> memref<1024x128xf32, #tpu.memory_space<vmem_shared>>
    tpu.enqueue_indirect_dma source(%dma_start3A_31 : memref<1024x128xf32, #tpu.memory_space<vmem_shared>>) target(%arg8 : memref<128x128xf32, #tpu.memory_space<vmem>>) offsets(%dma_start3A_28 : memref<128xi32, #tpu.memory_space<vmem>>) semaphore(%arg9 : memref<!tpu.dma_semaphore, #tpu.memory_space<semaphore_mem>>)
    %dma_wait3A_32 = arith.constant 1 : i32
    %dma_wait3A_33 = arith.constant 0 : i32
    %dma_wait3A_34 = tpu.memref_slice %arg6[%dma_wait3A_32, %dma_wait3A_33] : memref<9x128xi32, #tpu.memory_space<vmem>> -> memref<1x128xi32, #tpu.memory_space<vmem>>
    %dma_wait3A_35 = tpu.memref_squeeze %dma_wait3A_34 : memref<1x128xi32, #tpu.memory_space<vmem>> -> memref<128xi32, #tpu.memory_space<vmem>>
    %dma_wait3A_36 = arith.constant 0 : i32
    %dma_wait3A_37 = arith.constant 0 : i32
    %dma_wait3A_38 = tpu.memref_slice %arg5[%dma_wait3A_36, %dma_wait3A_37] : memref<1024x128xf32, #tpu.memory_space<vmem_shared>> -> memref<1024x128xf32, #tpu.memory_space<vmem_shared>>
    tpu.wait_indirect_dma semaphore(%arg9 : memref<!tpu.dma_semaphore, #tpu.memory_space<semaphore_mem>>) src(%dma_wait3A_38 : memref<1024x128xf32, #tpu.memory_space<vmem_shared>>) dst(%arg8 : memref<128x128xf32, #tpu.memory_space<vmem>>)
    %mul3A_39 = arith.constant 9 : i32
    %mul3A_40 = arith.muli %add3A, %mul3A_39 : i32
    %add3A_41 = arith.constant 1 : i32
    %add3A_42 = arith.addi %mul3A_40, %add3A_41 : i32
    %mul3A_43 = arith.constant 128 : i32
    %mul3A_44 = arith.muli %add3A_42, %mul3A_43 : i32
    %dma_start3A_45 = arith.constant 0 : i32
    %dma_start3A_46 = tpu.memref_slice %arg4[%mul3A_44, %dma_start3A_45] : memref<36864x128xf32, #tpu.memory_space<hbm>> -> memref<128x128xf32, #tpu.memory_space<hbm>>
    %dma_start3A_47 = arith.constant 0 : i32
    %dma_start3A_48 = tpu.memref_slice %arg4[%mul3A_44, %dma_start3A_47] : memref<36864x128xf32, #tpu.memory_space<hbm>> -> memref<128x128xf32, #tpu.memory_space<hbm>>
    tpu.enqueue_dma source(%arg8 : memref<128x128xf32, #tpu.memory_space<vmem>>) target(%dma_start3A_48 : memref<128x128xf32, #tpu.memory_space<hbm>>) target_semaphore(%arg11 : memref<!tpu.dma_semaphore, #tpu.memory_space<semaphore_mem>>)
    %dma_wait3A_49 = arith.constant 0 : i32
    %dma_wait3A_50 = tpu.memref_slice %arg4[%mul3A_20, %dma_wait3A_49] : memref<36864x128xf32, #tpu.memory_space<hbm>> -> memref<128x128xf32, #tpu.memory_space<hbm>>
    %dma_wait3A_51 = arith.constant 0 : i32
    %dma_wait3A_52 = tpu.memref_slice %arg4[%mul3A_20, %dma_wait3A_51] : memref<36864x128xf32, #tpu.memory_space<hbm>> -> memref<128x128xf32, #tpu.memory_space<hbm>>
    tpu.wait_dma2 semaphore(%arg10 : memref<!tpu.dma_semaphore, #tpu.memory_space<semaphore_mem>>) src(%arg7 : memref<128x128xf32, #tpu.memory_space<vmem>>) dst(%dma_wait3A_52 : memref<128x128xf32, #tpu.memory_space<hbm>>)
    %dma_start3A_53 = arith.constant 2 : i32
    %dma_start3A_54 = arith.constant 0 : i32
    %dma_start3A_55 = tpu.memref_slice %arg6[%dma_start3A_53, %dma_start3A_54] : memref<9x128xi32, #tpu.memory_space<vmem>> -> memref<1x128xi32, #tpu.memory_space<vmem>>
    %dma_start3A_56 = tpu.memref_squeeze %dma_start3A_55 : memref<1x128xi32, #tpu.memory_space<vmem>> -> memref<128xi32, #tpu.memory_space<vmem>>
    %dma_start3A_57 = arith.constant 0 : i32
    %dma_start3A_58 = arith.constant 0 : i32
    %dma_start3A_59 = tpu.memref_slice %arg5[%dma_start3A_57, %dma_start3A_58] : memref<1024x128xf32, #tpu.memory_space<vmem_shared>> -> memref<1024x128xf32, #tpu.memory_space<vmem_shared>>
    tpu.enqueue_indirect_dma source(%dma_start3A_59 : memref<1024x128xf32, #tpu.memory_space<vmem_shared>>) target(%arg7 : memref<128x128xf32, #tpu.memory_space<vmem>>) offsets(%dma_start3A_56 : memref<128xi32, #tpu.memory_space<vmem>>) semaphore(%arg9 : memref<!tpu.dma_semaphore, #tpu.memory_space<semaphore_mem>>)
    %dma_wait3A_60 = arith.constant 2 : i32
    %dma_wait3A_61 = arith.constant 0 : i32
    %dma_wait3A_62 = tpu.memref_slice %arg6[%dma_wait3A_60, %dma_wait3A_61] : memref<9x128xi32, #tpu.memory_space<vmem>> -> memref<1x128xi32, #tpu.memory_space<vmem>>
    %dma_wait3A_63 = tpu.memref_squeeze %dma_wait3A_62 : memref<1x128xi32, #tpu.memory_space<vmem>> -> memref<128xi32, #tpu.memory_space<vmem>>
    %dma_wait3A_64 = arith.constant 0 : i32
    %dma_wait3A_65 = arith.constant 0 : i32
    %dma_wait3A_66 = tpu.memref_slice %arg5[%dma_wait3A_64, %dma_wait3A_65] : memref<1024x128xf32, #tpu.memory_space<vmem_shared>> -> memref<1024x128xf32, #tpu.memory_space<vmem_shared>>
    tpu.wait_indirect_dma semaphore(%arg9 : memref<!tpu.dma_semaphore, #tpu.memory_space<semaphore_mem>>) src(%dma_wait3A_66 : memref<1024x128xf32, #tpu.memory_space<vmem_shared>>) dst(%arg7 : memref<128x128xf32, #tpu.memory_space<vmem>>)
    %mul3A_67 = arith.constant 9 : i32
    %mul3A_68 = arith.muli %add3A, %mul3A_67 : i32
    %add3A_69 = arith.constant 2 : i32
    %add3A_70 = arith.addi %mul3A_68, %add3A_69 : i32
    %mul3A_71 = arith.constant 128 : i32
    %mul3A_72 = arith.muli %add3A_70, %mul3A_71 : i32
    %dma_start3A_73 = arith.constant 0 : i32
    %dma_start3A_74 = tpu.memref_slice %arg4[%mul3A_72, %dma_start3A_73] : memref<36864x128xf32, #tpu.memory_space<hbm>> -> memref<128x128xf32, #tpu.memory_space<hbm>>
    %dma_start3A_75 = arith.constant 0 : i32
    %dma_start3A_76 = tpu.memref_slice %arg4[%mul3A_72, %dma_start3A_75] : memref<36864x128xf32, #tpu.memory_space<hbm>> -> memref<128x128xf32, #tpu.memory_space<hbm>>
    tpu.enqueue_dma source(%arg7 : memref<128x128xf32, #tpu.memory_space<vmem>>) target(%dma_start3A_76 : memref<128x128xf32, #tpu.memory_space<hbm>>) target_semaphore(%arg10 : memref<!tpu.dma_semaphore, #tpu.memory_space<semaphore_mem>>)
    %dma_wait3A_77 = arith.constant 0 : i32
    %dma_wait3A_78 = tpu.memref_slice %arg4[%mul3A_44, %dma_wait3A_77] : memref<36864x128xf32, #tpu.memory_space<hbm>> -> memref<128x128xf32, #tpu.memory_space<hbm>>
    %dma_wait3A_79 = arith.constant 0 : i32
    %dma_wait3A_80 = tpu.memref_slice %arg4[%mul3A_44, %dma_wait3A_79] : memref<36864x128xf32, #tpu.memory_space<hbm>> -> memref<128x128xf32, #tpu.memory_space<hbm>>
    tpu.wait_dma2 semaphore(%arg11 : memref<!tpu.dma_semaphore, #tpu.memory_space<semaphore_mem>>) src(%arg8 : memref<128x128xf32, #tpu.memory_space<vmem>>) dst(%dma_wait3A_80 : memref<128x128xf32, #tpu.memory_space<hbm>>)
    %dma_start3A_81 = arith.constant 3 : i32
    %dma_start3A_82 = arith.constant 0 : i32
    %dma_start3A_83 = tpu.memref_slice %arg6[%dma_start3A_81, %dma_start3A_82] : memref<9x128xi32, #tpu.memory_space<vmem>> -> memref<1x128xi32, #tpu.memory_space<vmem>>
    %dma_start3A_84 = tpu.memref_squeeze %dma_start3A_83 : memref<1x128xi32, #tpu.memory_space<vmem>> -> memref<128xi32, #tpu.memory_space<vmem>>
    %dma_start3A_85 = arith.constant 0 : i32
    %dma_start3A_86 = arith.constant 0 : i32
    %dma_start3A_87 = tpu.memref_slice %arg5[%dma_start3A_85, %dma_start3A_86] : memref<1024x128xf32, #tpu.memory_space<vmem_shared>> -> memref<1024x128xf32, #tpu.memory_space<vmem_shared>>
    tpu.enqueue_indirect_dma source(%dma_start3A_87 : memref<1024x128xf32, #tpu.memory_space<vmem_shared>>) target(%arg8 : memref<128x128xf32, #tpu.memory_space<vmem>>) offsets(%dma_start3A_84 : memref<128xi32, #tpu.memory_space<vmem>>) semaphore(%arg9 : memref<!tpu.dma_semaphore, #tpu.memory_space<semaphore_mem>>)
    %dma_wait3A_88 = arith.constant 3 : i32
    %dma_wait3A_89 = arith.constant 0 : i32
    %dma_wait3A_90 = tpu.memref_slice %arg6[%dma_wait3A_88, %dma_wait3A_89] : memref<9x128xi32, #tpu.memory_space<vmem>> -> memref<1x128xi32, #tpu.memory_space<vmem>>
    %dma_wait3A_91 = tpu.memref_squeeze %dma_wait3A_90 : memref<1x128xi32, #tpu.memory_space<vmem>> -> memref<128xi32, #tpu.memory_space<vmem>>
    %dma_wait3A_92 = arith.constant 0 : i32
    %dma_wait3A_93 = arith.constant 0 : i32
    %dma_wait3A_94 = tpu.memref_slice %arg5[%dma_wait3A_92, %dma_wait3A_93] : memref<1024x128xf32, #tpu.memory_space<vmem_shared>> -> memref<1024x128xf32, #tpu.memory_space<vmem_shared>>
    tpu.wait_indirect_dma semaphore(%arg9 : memref<!tpu.dma_semaphore, #tpu.memory_space<semaphore_mem>>) src(%dma_wait3A_94 : memref<1024x128xf32, #tpu.memory_space<vmem_shared>>) dst(%arg8 : memref<128x128xf32, #tpu.memory_space<vmem>>)
    %mul3A_95 = arith.constant 9 : i32
    %mul3A_96 = arith.muli %add3A, %mul3A_95 : i32
    %add3A_97 = arith.constant 3 : i32
    %add3A_98 = arith.addi %mul3A_96, %add3A_97 : i32
    %mul3A_99 = arith.constant 128 : i32
    %mul3A_100 = arith.muli %add3A_98, %mul3A_99 : i32
    %dma_start3A_101 = arith.constant 0 : i32
    %dma_start3A_102 = tpu.memref_slice %arg4[%mul3A_100, %dma_start3A_101] : memref<36864x128xf32, #tpu.memory_space<hbm>> -> memref<128x128xf32, #tpu.memory_space<hbm>>
    %dma_start3A_103 = arith.constant 0 : i32
    %dma_start3A_104 = tpu.memref_slice %arg4[%mul3A_100, %dma_start3A_103] : memref<36864x128xf32, #tpu.memory_space<hbm>> -> memref<128x128xf32, #tpu.memory_space<hbm>>
    tpu.enqueue_dma source(%arg8 : memref<128x128xf32, #tpu.memory_space<vmem>>) target(%dma_start3A_104 : memref<128x128xf32, #tpu.memory_space<hbm>>) target_semaphore(%arg11 : memref<!tpu.dma_semaphore, #tpu.memory_space<semaphore_mem>>)
    %dma_wait3A_105 = arith.constant 0 : i32
    %dma_wait3A_106 = tpu.memref_slice %arg4[%mul3A_72, %dma_wait3A_105] : memref<36864x128xf32, #tpu.memory_space<hbm>> -> memref<128x128xf32, #tpu.memory_space<hbm>>
    %dma_wait3A_107 = arith.constant 0 : i32
    %dma_wait3A_108 = tpu.memref_slice %arg4[%mul3A_72, %dma_wait3A_107] : memref<36864x128xf32, #tpu.memory_space<hbm>> -> memref<128x128xf32, #tpu.memory_space<hbm>>
    tpu.wait_dma2 semaphore(%arg10 : memref<!tpu.dma_semaphore, #tpu.memory_space<semaphore_mem>>) src(%arg7 : memref<128x128xf32, #tpu.memory_space<vmem>>) dst(%dma_wait3A_108 : memref<128x128xf32, #tpu.memory_space<hbm>>)
    %dma_start3A_109 = arith.constant 4 : i32
    %dma_start3A_110 = arith.constant 0 : i32
    %dma_start3A_111 = tpu.memref_slice %arg6[%dma_start3A_109, %dma_start3A_110] : memref<9x128xi32, #tpu.memory_space<vmem>> -> memref<1x128xi32, #tpu.memory_space<vmem>>
    %dma_start3A_112 = tpu.memref_squeeze %dma_start3A_111 : memref<1x128xi32, #tpu.memory_space<vmem>> -> memref<128xi32, #tpu.memory_space<vmem>>
    %dma_start3A_113 = arith.constant 0 : i32
    %dma_start3A_114 = arith.constant 0 : i32
    %dma_start3A_115 = tpu.memref_slice %arg5[%dma_start3A_113, %dma_start3A_114] : memref<1024x128xf32, #tpu.memory_space<vmem_shared>> -> memref<1024x128xf32, #tpu.memory_space<vmem_shared>>
    tpu.enqueue_indirect_dma source(%dma_start3A_115 : memref<1024x128xf32, #tpu.memory_space<vmem_shared>>) target(%arg7 : memref<128x128xf32, #tpu.memory_space<vmem>>) offsets(%dma_start3A_112 : memref<128xi32, #tpu.memory_space<vmem>>) semaphore(%arg9 : memref<!tpu.dma_semaphore, #tpu.memory_space<semaphore_mem>>)
    %dma_wait3A_116 = arith.constant 4 : i32
    %dma_wait3A_117 = arith.constant 0 : i32
    %dma_wait3A_118 = tpu.memref_slice %arg6[%dma_wait3A_116, %dma_wait3A_117] : memref<9x128xi32, #tpu.memory_space<vmem>> -> memref<1x128xi32, #tpu.memory_space<vmem>>
    %dma_wait3A_119 = tpu.memref_squeeze %dma_wait3A_118 : memref<1x128xi32, #tpu.memory_space<vmem>> -> memref<128xi32, #tpu.memory_space<vmem>>
    %dma_wait3A_120 = arith.constant 0 : i32
    %dma_wait3A_121 = arith.constant 0 : i32
    %dma_wait3A_122 = tpu.memref_slice %arg5[%dma_wait3A_120, %dma_wait3A_121] : memref<1024x128xf32, #tpu.memory_space<vmem_shared>> -> memref<1024x128xf32, #tpu.memory_space<vmem_shared>>
    tpu.wait_indirect_dma semaphore(%arg9 : memref<!tpu.dma_semaphore, #tpu.memory_space<semaphore_mem>>) src(%dma_wait3A_122 : memref<1024x128xf32, #tpu.memory_space<vmem_shared>>) dst(%arg7 : memref<128x128xf32, #tpu.memory_space<vmem>>)
    %mul3A_123 = arith.constant 9 : i32
    %mul3A_124 = arith.muli %add3A, %mul3A_123 : i32
    %add3A_125 = arith.constant 4 : i32
    %add3A_126 = arith.addi %mul3A_124, %add3A_125 : i32
    %mul3A_127 = arith.constant 128 : i32
    %mul3A_128 = arith.muli %add3A_126, %mul3A_127 : i32
    %dma_start3A_129 = arith.constant 0 : i32
    %dma_start3A_130 = tpu.memref_slice %arg4[%mul3A_128, %dma_start3A_129] : memref<36864x128xf32, #tpu.memory_space<hbm>> -> memref<128x128xf32, #tpu.memory_space<hbm>>
    %dma_start3A_131 = arith.constant 0 : i32
    %dma_start3A_132 = tpu.memref_slice %arg4[%mul3A_128, %dma_start3A_131] : memref<36864x128xf32, #tpu.memory_space<hbm>> -> memref<128x128xf32, #tpu.memory_space<hbm>>
    tpu.enqueue_dma source(%arg7 : memref<128x128xf32, #tpu.memory_space<vmem>>) target(%dma_start3A_132 : memref<128x128xf32, #tpu.memory_space<hbm>>) target_semaphore(%arg10 : memref<!tpu.dma_semaphore, #tpu.memory_space<semaphore_mem>>)
    %dma_wait3A_133 = arith.constant 0 : i32
    %dma_wait3A_134 = tpu.memref_slice %arg4[%mul3A_100, %dma_wait3A_133] : memref<36864x128xf32, #tpu.memory_space<hbm>> -> memref<128x128xf32, #tpu.memory_space<hbm>>
    %dma_wait3A_135 = arith.constant 0 : i32
    %dma_wait3A_136 = tpu.memref_slice %arg4[%mul3A_100, %dma_wait3A_135] : memref<36864x128xf32, #tpu.memory_space<hbm>> -> memref<128x128xf32, #tpu.memory_space<hbm>>
    tpu.wait_dma2 semaphore(%arg11 : memref<!tpu.dma_semaphore, #tpu.memory_space<semaphore_mem>>) src(%arg8 : memref<128x128xf32, #tpu.memory_space<vmem>>) dst(%dma_wait3A_136 : memref<128x128xf32, #tpu.memory_space<hbm>>)
    %dma_start3A_137 = arith.constant 5 : i32
    %dma_start3A_138 = arith.constant 0 : i32
    %dma_start3A_139 = tpu.memref_slice %arg6[%dma_start3A_137, %dma_start3A_138] : memref<9x128xi32, #tpu.memory_space<vmem>> -> memref<1x128xi32, #tpu.memory_space<vmem>>
    %dma_start3A_140 = tpu.memref_squeeze %dma_start3A_139 : memref<1x128xi32, #tpu.memory_space<vmem>> -> memref<128xi32, #tpu.memory_space<vmem>>
    %dma_start3A_141 = arith.constant 0 : i32
    %dma_start3A_142 = arith.constant 0 : i32
    %dma_start3A_143 = tpu.memref_slice %arg5[%dma_start3A_141, %dma_start3A_142] : memref<1024x128xf32, #tpu.memory_space<vmem_shared>> -> memref<1024x128xf32, #tpu.memory_space<vmem_shared>>
    tpu.enqueue_indirect_dma source(%dma_start3A_143 : memref<1024x128xf32, #tpu.memory_space<vmem_shared>>) target(%arg8 : memref<128x128xf32, #tpu.memory_space<vmem>>) offsets(%dma_start3A_140 : memref<128xi32, #tpu.memory_space<vmem>>) semaphore(%arg9 : memref<!tpu.dma_semaphore, #tpu.memory_space<semaphore_mem>>)
    %dma_wait3A_144 = arith.constant 5 : i32
    %dma_wait3A_145 = arith.constant 0 : i32
    %dma_wait3A_146 = tpu.memref_slice %arg6[%dma_wait3A_144, %dma_wait3A_145] : memref<9x128xi32, #tpu.memory_space<vmem>> -> memref<1x128xi32, #tpu.memory_space<vmem>>
    %dma_wait3A_147 = tpu.memref_squeeze %dma_wait3A_146 : memref<1x128xi32, #tpu.memory_space<vmem>> -> memref<128xi32, #tpu.memory_space<vmem>>
    %dma_wait3A_148 = arith.constant 0 : i32
    %dma_wait3A_149 = arith.constant 0 : i32
    %dma_wait3A_150 = tpu.memref_slice %arg5[%dma_wait3A_148, %dma_wait3A_149] : memref<1024x128xf32, #tpu.memory_space<vmem_shared>> -> memref<1024x128xf32, #tpu.memory_space<vmem_shared>>
    tpu.wait_indirect_dma semaphore(%arg9 : memref<!tpu.dma_semaphore, #tpu.memory_space<semaphore_mem>>) src(%dma_wait3A_150 : memref<1024x128xf32, #tpu.memory_space<vmem_shared>>) dst(%arg8 : memref<128x128xf32, #tpu.memory_space<vmem>>)
    %mul3A_151 = arith.constant 9 : i32
    %mul3A_152 = arith.muli %add3A, %mul3A_151 : i32
    %add3A_153 = arith.constant 5 : i32
    %add3A_154 = arith.addi %mul3A_152, %add3A_153 : i32
    %mul3A_155 = arith.constant 128 : i32
    %mul3A_156 = arith.muli %add3A_154, %mul3A_155 : i32
    %dma_start3A_157 = arith.constant 0 : i32
    %dma_start3A_158 = tpu.memref_slice %arg4[%mul3A_156, %dma_start3A_157] : memref<36864x128xf32, #tpu.memory_space<hbm>> -> memref<128x128xf32, #tpu.memory_space<hbm>>
    %dma_start3A_159 = arith.constant 0 : i32
    %dma_start3A_160 = tpu.memref_slice %arg4[%mul3A_156, %dma_start3A_159] : memref<36864x128xf32, #tpu.memory_space<hbm>> -> memref<128x128xf32, #tpu.memory_space<hbm>>
    tpu.enqueue_dma source(%arg8 : memref<128x128xf32, #tpu.memory_space<vmem>>) target(%dma_start3A_160 : memref<128x128xf32, #tpu.memory_space<hbm>>) target_semaphore(%arg11 : memref<!tpu.dma_semaphore, #tpu.memory_space<semaphore_mem>>)
    %dma_wait3A_161 = arith.constant 0 : i32
    %dma_wait3A_162 = tpu.memref_slice %arg4[%mul3A_128, %dma_wait3A_161] : memref<36864x128xf32, #tpu.memory_space<hbm>> -> memref<128x128xf32, #tpu.memory_space<hbm>>
    %dma_wait3A_163 = arith.constant 0 : i32
    %dma_wait3A_164 = tpu.memref_slice %arg4[%mul3A_128, %dma_wait3A_163] : memref<36864x128xf32, #tpu.memory_space<hbm>> -> memref<128x128xf32, #tpu.memory_space<hbm>>
    tpu.wait_dma2 semaphore(%arg10 : memref<!tpu.dma_semaphore, #tpu.memory_space<semaphore_mem>>) src(%arg7 : memref<128x128xf32, #tpu.memory_space<vmem>>) dst(%dma_wait3A_164 : memref<128x128xf32, #tpu.memory_space<hbm>>)
    %dma_start3A_165 = arith.constant 6 : i32
    %dma_start3A_166 = arith.constant 0 : i32
    %dma_start3A_167 = tpu.memref_slice %arg6[%dma_start3A_165, %dma_start3A_166] : memref<9x128xi32, #tpu.memory_space<vmem>> -> memref<1x128xi32, #tpu.memory_space<vmem>>
    %dma_start3A_168 = tpu.memref_squeeze %dma_start3A_167 : memref<1x128xi32, #tpu.memory_space<vmem>> -> memref<128xi32, #tpu.memory_space<vmem>>
    %dma_start3A_169 = arith.constant 0 : i32
    %dma_start3A_170 = arith.constant 0 : i32
    %dma_start3A_171 = tpu.memref_slice %arg5[%dma_start3A_169, %dma_start3A_170] : memref<1024x128xf32, #tpu.memory_space<vmem_shared>> -> memref<1024x128xf32, #tpu.memory_space<vmem_shared>>
    tpu.enqueue_indirect_dma source(%dma_start3A_171 : memref<1024x128xf32, #tpu.memory_space<vmem_shared>>) target(%arg7 : memref<128x128xf32, #tpu.memory_space<vmem>>) offsets(%dma_start3A_168 : memref<128xi32, #tpu.memory_space<vmem>>) semaphore(%arg9 : memref<!tpu.dma_semaphore, #tpu.memory_space<semaphore_mem>>)
    %dma_wait3A_172 = arith.constant 6 : i32
    %dma_wait3A_173 = arith.constant 0 : i32
    %dma_wait3A_174 = tpu.memref_slice %arg6[%dma_wait3A_172, %dma_wait3A_173] : memref<9x128xi32, #tpu.memory_space<vmem>> -> memref<1x128xi32, #tpu.memory_space<vmem>>
    %dma_wait3A_175 = tpu.memref_squeeze %dma_wait3A_174 : memref<1x128xi32, #tpu.memory_space<vmem>> -> memref<128xi32, #tpu.memory_space<vmem>>
    %dma_wait3A_176 = arith.constant 0 : i32
    %dma_wait3A_177 = arith.constant 0 : i32
    %dma_wait3A_178 = tpu.memref_slice %arg5[%dma_wait3A_176, %dma_wait3A_177] : memref<1024x128xf32, #tpu.memory_space<vmem_shared>> -> memref<1024x128xf32, #tpu.memory_space<vmem_shared>>
    tpu.wait_indirect_dma semaphore(%arg9 : memref<!tpu.dma_semaphore, #tpu.memory_space<semaphore_mem>>) src(%dma_wait3A_178 : memref<1024x128xf32, #tpu.memory_space<vmem_shared>>) dst(%arg7 : memref<128x128xf32, #tpu.memory_space<vmem>>)
    %mul3A_179 = arith.constant 9 : i32
    %mul3A_180 = arith.muli %add3A, %mul3A_179 : i32
    %add3A_181 = arith.constant 6 : i32
    %add3A_182 = arith.addi %mul3A_180, %add3A_181 : i32
    %mul3A_183 = arith.constant 128 : i32
    %mul3A_184 = arith.muli %add3A_182, %mul3A_183 : i32
    %dma_start3A_185 = arith.constant 0 : i32
    %dma_start3A_186 = tpu.memref_slice %arg4[%mul3A_184, %dma_start3A_185] : memref<36864x128xf32, #tpu.memory_space<hbm>> -> memref<128x128xf32, #tpu.memory_space<hbm>>
    %dma_start3A_187 = arith.constant 0 : i32
    %dma_start3A_188 = tpu.memref_slice %arg4[%mul3A_184, %dma_start3A_187] : memref<36864x128xf32, #tpu.memory_space<hbm>> -> memref<128x128xf32, #tpu.memory_space<hbm>>
    tpu.enqueue_dma source(%arg7 : memref<128x128xf32, #tpu.memory_space<vmem>>) target(%dma_start3A_188 : memref<128x128xf32, #tpu.memory_space<hbm>>) target_semaphore(%arg10 : memref<!tpu.dma_semaphore, #tpu.memory_space<semaphore_mem>>)
    %dma_wait3A_189 = arith.constant 0 : i32
    %dma_wait3A_190 = tpu.memref_slice %arg4[%mul3A_156, %dma_wait3A_189] : memref<36864x128xf32, #tpu.memory_space<hbm>> -> memref<128x128xf32, #tpu.memory_space<hbm>>
    %dma_wait3A_191 = arith.constant 0 : i32
    %dma_wait3A_192 = tpu.memref_slice %arg4[%mul3A_156, %dma_wait3A_191] : memref<36864x128xf32, #tpu.memory_space<hbm>> -> memref<128x128xf32, #tpu.memory_space<hbm>>
    tpu.wait_dma2 semaphore(%arg11 : memref<!tpu.dma_semaphore, #tpu.memory_space<semaphore_mem>>) src(%arg8 : memref<128x128xf32, #tpu.memory_space<vmem>>) dst(%dma_wait3A_192 : memref<128x128xf32, #tpu.memory_space<hbm>>)
    %dma_start3A_193 = arith.constant 7 : i32
    %dma_start3A_194 = arith.constant 0 : i32
    %dma_start3A_195 = tpu.memref_slice %arg6[%dma_start3A_193, %dma_start3A_194] : memref<9x128xi32, #tpu.memory_space<vmem>> -> memref<1x128xi32, #tpu.memory_space<vmem>>
    %dma_start3A_196 = tpu.memref_squeeze %dma_start3A_195 : memref<1x128xi32, #tpu.memory_space<vmem>> -> memref<128xi32, #tpu.memory_space<vmem>>
    %dma_start3A_197 = arith.constant 0 : i32
    %dma_start3A_198 = arith.constant 0 : i32
    %dma_start3A_199 = tpu.memref_slice %arg5[%dma_start3A_197, %dma_start3A_198] : memref<1024x128xf32, #tpu.memory_space<vmem_shared>> -> memref<1024x128xf32, #tpu.memory_space<vmem_shared>>
    tpu.enqueue_indirect_dma source(%dma_start3A_199 : memref<1024x128xf32, #tpu.memory_space<vmem_shared>>) target(%arg8 : memref<128x128xf32, #tpu.memory_space<vmem>>) offsets(%dma_start3A_196 : memref<128xi32, #tpu.memory_space<vmem>>) semaphore(%arg9 : memref<!tpu.dma_semaphore, #tpu.memory_space<semaphore_mem>>)
    %dma_wait3A_200 = arith.constant 7 : i32
    %dma_wait3A_201 = arith.constant 0 : i32
    %dma_wait3A_202 = tpu.memref_slice %arg6[%dma_wait3A_200, %dma_wait3A_201] : memref<9x128xi32, #tpu.memory_space<vmem>> -> memref<1x128xi32, #tpu.memory_space<vmem>>
    %dma_wait3A_203 = tpu.memref_squeeze %dma_wait3A_202 : memref<1x128xi32, #tpu.memory_space<vmem>> -> memref<128xi32, #tpu.memory_space<vmem>>
    %dma_wait3A_204 = arith.constant 0 : i32
    %dma_wait3A_205 = arith.constant 0 : i32
    %dma_wait3A_206 = tpu.memref_slice %arg5[%dma_wait3A_204, %dma_wait3A_205] : memref<1024x128xf32, #tpu.memory_space<vmem_shared>> -> memref<1024x128xf32, #tpu.memory_space<vmem_shared>>
    tpu.wait_indirect_dma semaphore(%arg9 : memref<!tpu.dma_semaphore, #tpu.memory_space<semaphore_mem>>) src(%dma_wait3A_206 : memref<1024x128xf32, #tpu.memory_space<vmem_shared>>) dst(%arg8 : memref<128x128xf32, #tpu.memory_space<vmem>>)
    %mul3A_207 = arith.constant 9 : i32
    %mul3A_208 = arith.muli %add3A, %mul3A_207 : i32
    %add3A_209 = arith.constant 7 : i32
    %add3A_210 = arith.addi %mul3A_208, %add3A_209 : i32
    %mul3A_211 = arith.constant 128 : i32
    %mul3A_212 = arith.muli %add3A_210, %mul3A_211 : i32
    %dma_start3A_213 = arith.constant 0 : i32
    %dma_start3A_214 = tpu.memref_slice %arg4[%mul3A_212, %dma_start3A_213] : memref<36864x128xf32, #tpu.memory_space<hbm>> -> memref<128x128xf32, #tpu.memory_space<hbm>>
    %dma_start3A_215 = arith.constant 0 : i32
    %dma_start3A_216 = tpu.memref_slice %arg4[%mul3A_212, %dma_start3A_215] : memref<36864x128xf32, #tpu.memory_space<hbm>> -> memref<128x128xf32, #tpu.memory_space<hbm>>
    tpu.enqueue_dma source(%arg8 : memref<128x128xf32, #tpu.memory_space<vmem>>) target(%dma_start3A_216 : memref<128x128xf32, #tpu.memory_space<hbm>>) target_semaphore(%arg11 : memref<!tpu.dma_semaphore, #tpu.memory_space<semaphore_mem>>)
    %dma_wait3A_217 = arith.constant 0 : i32
    %dma_wait3A_218 = tpu.memref_slice %arg4[%mul3A_184, %dma_wait3A_217] : memref<36864x128xf32, #tpu.memory_space<hbm>> -> memref<128x128xf32, #tpu.memory_space<hbm>>
    %dma_wait3A_219 = arith.constant 0 : i32
    %dma_wait3A_220 = tpu.memref_slice %arg4[%mul3A_184, %dma_wait3A_219] : memref<36864x128xf32, #tpu.memory_space<hbm>> -> memref<128x128xf32, #tpu.memory_space<hbm>>
    tpu.wait_dma2 semaphore(%arg10 : memref<!tpu.dma_semaphore, #tpu.memory_space<semaphore_mem>>) src(%arg7 : memref<128x128xf32, #tpu.memory_space<vmem>>) dst(%dma_wait3A_220 : memref<128x128xf32, #tpu.memory_space<hbm>>)
    %dma_start3A_221 = arith.constant 8 : i32
    %dma_start3A_222 = arith.constant 0 : i32
    %dma_start3A_223 = tpu.memref_slice %arg6[%dma_start3A_221, %dma_start3A_222] : memref<9x128xi32, #tpu.memory_space<vmem>> -> memref<1x128xi32, #tpu.memory_space<vmem>>
    %dma_start3A_224 = tpu.memref_squeeze %dma_start3A_223 : memref<1x128xi32, #tpu.memory_space<vmem>> -> memref<128xi32, #tpu.memory_space<vmem>>
    %dma_start3A_225 = arith.constant 0 : i32
    %dma_start3A_226 = arith.constant 0 : i32
    %dma_start3A_227 = tpu.memref_slice %arg5[%dma_start3A_225, %dma_start3A_226] : memref<1024x128xf32, #tpu.memory_space<vmem_shared>> -> memref<1024x128xf32, #tpu.memory_space<vmem_shared>>
    tpu.enqueue_indirect_dma source(%dma_start3A_227 : memref<1024x128xf32, #tpu.memory_space<vmem_shared>>) target(%arg7 : memref<128x128xf32, #tpu.memory_space<vmem>>) offsets(%dma_start3A_224 : memref<128xi32, #tpu.memory_space<vmem>>) semaphore(%arg9 : memref<!tpu.dma_semaphore, #tpu.memory_space<semaphore_mem>>)
    %dma_wait3A_228 = arith.constant 8 : i32
    %dma_wait3A_229 = arith.constant 0 : i32
    %dma_wait3A_230 = tpu.memref_slice %arg6[%dma_wait3A_228, %dma_wait3A_229] : memref<9x128xi32, #tpu.memory_space<vmem>> -> memref<1x128xi32, #tpu.memory_space<vmem>>
    %dma_wait3A_231 = tpu.memref_squeeze %dma_wait3A_230 : memref<1x128xi32, #tpu.memory_space<vmem>> -> memref<128xi32, #tpu.memory_space<vmem>>
    %dma_wait3A_232 = arith.constant 0 : i32
    %dma_wait3A_233 = arith.constant 0 : i32
    %dma_wait3A_234 = tpu.memref_slice %arg5[%dma_wait3A_232, %dma_wait3A_233] : memref<1024x128xf32, #tpu.memory_space<vmem_shared>> -> memref<1024x128xf32, #tpu.memory_space<vmem_shared>>
    tpu.wait_indirect_dma semaphore(%arg9 : memref<!tpu.dma_semaphore, #tpu.memory_space<semaphore_mem>>) src(%dma_wait3A_234 : memref<1024x128xf32, #tpu.memory_space<vmem_shared>>) dst(%arg7 : memref<128x128xf32, #tpu.memory_space<vmem>>)
    %mul3A_235 = arith.constant 9 : i32
    %mul3A_236 = arith.muli %add3A, %mul3A_235 : i32
    %add3A_237 = arith.constant 8 : i32
    %add3A_238 = arith.addi %mul3A_236, %add3A_237 : i32
    %mul3A_239 = arith.constant 128 : i32
    %mul3A_240 = arith.muli %add3A_238, %mul3A_239 : i32
    %dma_start3A_241 = arith.constant 0 : i32
    %dma_start3A_242 = tpu.memref_slice %arg4[%mul3A_240, %dma_start3A_241] : memref<36864x128xf32, #tpu.memory_space<hbm>> -> memref<128x128xf32, #tpu.memory_space<hbm>>
    %dma_start3A_243 = arith.constant 0 : i32
    %dma_start3A_244 = tpu.memref_slice %arg4[%mul3A_240, %dma_start3A_243] : memref<36864x128xf32, #tpu.memory_space<hbm>> -> memref<128x128xf32, #tpu.memory_space<hbm>>
    tpu.enqueue_dma source(%arg7 : memref<128x128xf32, #tpu.memory_space<vmem>>) target(%dma_start3A_244 : memref<128x128xf32, #tpu.memory_space<hbm>>) target_semaphore(%arg10 : memref<!tpu.dma_semaphore, #tpu.memory_space<semaphore_mem>>)
    %dma_wait3A_245 = arith.constant 0 : i32
    %dma_wait3A_246 = tpu.memref_slice %arg4[%mul3A_240, %dma_wait3A_245] : memref<36864x128xf32, #tpu.memory_space<hbm>> -> memref<128x128xf32, #tpu.memory_space<hbm>>
    %dma_wait3A_247 = arith.constant 0 : i32
    %dma_wait3A_248 = tpu.memref_slice %arg4[%mul3A_240, %dma_wait3A_247] : memref<36864x128xf32, #tpu.memory_space<hbm>> -> memref<128x128xf32, #tpu.memory_space<hbm>>
    tpu.wait_dma2 semaphore(%arg10 : memref<!tpu.dma_semaphore, #tpu.memory_space<semaphore_mem>>) src(%arg7 : memref<128x128xf32, #tpu.memory_space<vmem>>) dst(%dma_wait3A_248 : memref<128x128xf32, #tpu.memory_space<hbm>>)
    return
  }
}

module attributes {stable_mosaic.version = 14 : i64} {
  func.func @_vq_tc_body(%arg0: i32, %arg1: memref<2048x64xf32, #tpu.memory_space<vmem>>, %arg2: memref<1024x64xf32, #tpu.memory_space<vmem>>, %arg3: memref<1x1024xf32, #tpu.memory_space<vmem>>, %arg4: memref<2048xi32, #tpu.memory_space<vmem>>, %arg5: memref<1x1024xf32, #tpu.memory_space<vmem>>, %arg6: memref<1x1xf32, #tpu.memory_space<vmem>>) attributes {dimension_semantics = [#tpu.dimension_semantics<arbitrary>], iteration_bounds = array<i64: 18>, scalar_prefetch = 0 : i64, scratch_operands = 0 : i64, tpu.core_type = #tpu.core_type<tc>, window_params = [{transform_indices = @transform_0, window_bounds = array<i64: 2048, 64>}, {pipeline_mode = #tpu.pipeline_mode<synchronous>, transform_indices = @transform_1, window_bounds = array<i64: 1024, 64>}, {pipeline_mode = #tpu.pipeline_mode<synchronous>, transform_indices = @transform_2, window_bounds = array<i64: 1, 1024>}, {transform_indices = @transform_3, window_bounds = array<i64: 2048>}, {pipeline_mode = #tpu.pipeline_mode<synchronous>, transform_indices = @transform_4, window_bounds = array<i64: 1, 1024>}, {pipeline_mode = #tpu.pipeline_mode<synchronous>, transform_indices = @transform_5, window_bounds = array<i64: 1, 1>}]} {
    %get3A = arith.constant 0 : index
    %get3A_0 = arith.constant 0 : index
    %get3A_1 = vector.load %arg1[%get3A, %get3A_0] : memref<2048x64xf32, #tpu.memory_space<vmem>>, vector<2048x64xf32>
    %get3A_2 = arith.constant 0 : index
    %get3A_3 = arith.constant 0 : index
    %get3A_4 = vector.load %arg2[%get3A_2, %get3A_3] : memref<1024x64xf32, #tpu.memory_space<vmem>>, vector<1024x64xf32>
    %dot_general3A = arith.constant dense<0.000000e+00> : vector<2048x1024xf32>
    %dot_general3A_5 = tpu.matmul %get3A_1, %get3A_4, %dot_general3A {dimension_numbers = #tpu.dot_dimension_numbers<[1], [1], [0], [0], [0, 0, 1, 0], [], []>, transpose_lhs_hint = false} : vector<2048x64xf32>, vector<1024x64xf32>, vector<2048x1024xf32> -> vector<2048x1024xf32>
    %mul3A = arith.mulf %get3A_1, %get3A_1 : vector<2048x64xf32>
    %reduce_sum3A = arith.constant dense<0.000000e+00> : vector<2048xf32>
    %reduce_sum3A_6 = vector.multi_reduction <add>, %mul3A, %reduce_sum3A [1] : vector<2048x64xf32> to vector<2048xf32>
    %broadcast_in_dim3A = vector.shape_cast %reduce_sum3A_6 : vector<2048xf32> to vector<2048x1xf32>
    %get3A_7 = arith.constant 0 : index
    %get3A_8 = arith.constant 0 : index
    %get3A_9 = vector.load %arg3[%get3A_7, %get3A_8] : memref<1x1024xf32, #tpu.memory_space<vmem>>, vector<1x1024xf32>
    %add3A = vector.broadcast %broadcast_in_dim3A : vector<2048x1xf32> to vector<2048x1024xf32>
    %add3A_10 = vector.broadcast %get3A_9 : vector<1x1024xf32> to vector<2048x1024xf32>
    %add3A_11 = arith.addf %add3A, %add3A_10 : vector<2048x1024xf32>
    %add3A_12 = arith.addf %add3A_11, %dot_general3A_5 : vector<2048x1024xf32>
    %reduce_min3A = arith.constant dense<0x7F800000> : vector<2048xf32>
    %reduce_min3A_13 = vector.multi_reduction <minimumf>, %add3A_12, %reduce_min3A [1] : vector<2048x1024xf32> to vector<2048xf32>
    %iota3A = tpu.iota {dimensions = array<i32: 1>} : vector<2048x1024xi32>
    %broadcast_in_dim3A_14 = vector.shape_cast %reduce_min3A_13 : vector<2048xf32> to vector<2048x1xf32>
    %eq3A = vector.broadcast %broadcast_in_dim3A_14 : vector<2048x1xf32> to vector<2048x1024xf32>
    %eq3A_15 = arith.cmpf oeq, %add3A_12, %eq3A : vector<2048x1024xf32>
    %jit3A = arith.constant 1024 : i32
    %broadcast_in_dim3A_16 = vector.broadcast %jit3A : i32 to vector<2048x1024xi32>
    %select_n3A = arith.select %eq3A_15, %iota3A, %broadcast_in_dim3A_16 : vector<2048x1024xi1>, vector<2048x1024xi32>
    %reduce_min3A_17 = arith.constant dense<2147483647> : vector<2048xi32>
    %reduce_min3A_18 = vector.multi_reduction <minsi>, %select_n3A, %reduce_min3A_17 [1] : vector<2048x1024xi32> to vector<2048xi32>
    %broadcast_in_dim3A_19 = vector.shape_cast %reduce_min3A_18 : vector<2048xi32> to vector<2048x1xi32>
    %eq3A_20 = vector.broadcast %broadcast_in_dim3A_19 : vector<2048x1xi32> to vector<2048x1024xi32>
    %eq3A_21 = arith.cmpi eq, %iota3A, %eq3A_20 : vector<2048x1024xi32>
    %convert_element_type3A = arith.extui %eq3A_21 : vector<2048x1024xi1> to vector<2048x1024xi32>
    %convert_element_type3A_22 = arith.sitofp %convert_element_type3A : vector<2048x1024xi32> to vector<2048x1024xf32>
    %broadcast_in_dim3A_23 = arith.constant 1.000000e+00 : f32
    %broadcast_in_dim3A_24 = vector.broadcast %broadcast_in_dim3A_23 : f32 to vector<1x2048xf32>
    %dot_general3A_25 = arith.constant dense<0.000000e+00> : vector<1x1024xf32>
    %dot_general3A_26 = tpu.matmul %broadcast_in_dim3A_24, %convert_element_type3A_22, %dot_general3A_25 {dimension_numbers = #tpu.dot_dimension_numbers<[1], [0], [0], [1], [0, 0, 1, 1], [], []>, transpose_lhs_hint = false} : vector<1x2048xf32>, vector<2048x1024xf32>, vector<1x1024xf32> -> vector<1x1024xf32>
    %reduce_sum3A_27 = vector.shape_cast %reduce_min3A_13 : vector<2048xf32> to vector<1x2048xf32>
    %reduce_sum3A_28 = arith.constant dense<0.000000e+00> : vector<1xf32>
    %reduce_sum3A_29 = vector.multi_reduction <add>, %reduce_sum3A_27, %reduce_sum3A_28 [1] : vector<1x2048xf32> to vector<1xf32>
    %reduce_sum3A_30 = vector.shape_cast %reduce_sum3A_29 : vector<1xf32> to vector<1x1xf32>
    %reduce_sum3A_31 = vector.extract %reduce_sum3A_30[0, 0] : f32 from vector<1x1xf32>
    %eq3A_32 = arith.constant 0 : i32
    %eq3A_33 = arith.cmpi eq, %arg0, %eq3A_32 : i32
    %convert_element_type3A_34 = arith.extui %eq3A_33 : i1 to i32
    %cond3A = arith.constant 0 : i32
    %cond3A_35 = arith.cmpi ne, %convert_element_type3A_34, %cond3A : i32
    scf.if %cond3A_35 {
      %broadcast_in_dim3A_52 = arith.constant 0.000000e+00 : f32
      %broadcast_in_dim3A_53 = vector.broadcast %broadcast_in_dim3A_52 : f32 to vector<1x1024xf32>
      %swap3A_54 = arith.constant 0 : index
      %swap3A_55 = arith.constant 0 : index
      %swap3A_56 = vector.load %arg5[%swap3A_54, %swap3A_55] : memref<1x1024xf32, #tpu.memory_space<vmem>>, vector<1x1024xf32>
      tpu.vector_store %arg5[%swap3A_54, %swap3A_55], %broadcast_in_dim3A_53 {strides = array<i32>} : memref<1x1024xf32, #tpu.memory_space<vmem>>, vector<1x1024xf32>,
      %broadcast_in_dim3A_57 = arith.constant 0.000000e+00 : f32
      %broadcast_in_dim3A_58 = vector.broadcast %broadcast_in_dim3A_57 : f32 to vector<1x1xf32>
      %swap3A_59 = arith.constant 0 : index
      %swap3A_60 = arith.constant 0 : index
      %swap3A_61 = vector.load %arg6[%swap3A_59, %swap3A_60] : memref<1x1xf32, #tpu.memory_space<vmem>>, vector<1x1xf32>
      tpu.vector_store %arg6[%swap3A_59, %swap3A_60], %broadcast_in_dim3A_58 {strides = array<i32>} : memref<1x1xf32, #tpu.memory_space<vmem>>, vector<1x1xf32>,
    } else {
    }
    %swap3A = arith.constant 0 : index
    %swap3A_36 = vector.load %arg4[%swap3A] : memref<2048xi32, #tpu.memory_space<vmem>>, vector<2048xi32>
    tpu.vector_store %arg4[%swap3A], %reduce_min3A_18 {strides = array<i32>} : memref<2048xi32, #tpu.memory_space<vmem>>, vector<2048xi32>,
    %get3A_37 = arith.constant 0 : index
    %get3A_38 = arith.constant 0 : index
    %get3A_39 = vector.load %arg5[%get3A_37, %get3A_38] : memref<1x1024xf32, #tpu.memory_space<vmem>>, vector<1x1024xf32>
    %add3A_40 = arith.addf %get3A_39, %dot_general3A_26 : vector<1x1024xf32>
    %swap3A_41 = arith.constant 0 : index
    %swap3A_42 = arith.constant 0 : index
    %swap3A_43 = vector.load %arg5[%swap3A_41, %swap3A_42] : memref<1x1024xf32, #tpu.memory_space<vmem>>, vector<1x1024xf32>
    tpu.vector_store %arg5[%swap3A_41, %swap3A_42], %add3A_40 {strides = array<i32>} : memref<1x1024xf32, #tpu.memory_space<vmem>>, vector<1x1024xf32>,
    %get3A_44 = arith.constant 0 : index
    %get3A_45 = arith.constant 0 : index
    %get3A_46 = vector.load %arg6[%get3A_44, %get3A_45] : memref<1x1xf32, #tpu.memory_space<vmem>>, vector<1x1xf32>
    %add3A_47 = vector.broadcast %reduce_sum3A_31 : f32 to vector<1x1xf32>
    %add3A_48 = arith.addf %get3A_46, %add3A_47 : vector<1x1xf32>
    %swap3A_49 = arith.constant 0 : index
    %swap3A_50 = arith.constant 0 : index
    %swap3A_51 = vector.load %arg6[%swap3A_49, %swap3A_50] : memref<1x1xf32, #tpu.memory_space<vmem>>, vector<1x1xf32>
    tpu.vector_store %arg6[%swap3A_49, %swap3A_50], %add3A_48 {strides = array<i32>} : memref<1x1xf32, #tpu.memory_space<vmem>>, vector<1x1xf32>,
    return
  }
  func.func @transform_0(%arg0: i32) -> (i32, i32) {
    %c0_i32 = arith.constant 0 : i32
    %c0_i32_0 = arith.constant 0 : i32
    return %arg0, %c0_i32 : i32, i32
  }
  func.func @transform_1(%arg0: i32) -> (i32, i32) {
    %c0_i32 = arith.constant 0 : i32
    %c0_i32_0 = arith.constant 0 : i32
    %c0_i32_1 = arith.constant 0 : i32
    return %c0_i32, %c0_i32_0 : i32, i32
  }
  func.func @transform_2(%arg0: i32) -> (i32, i32) {
    %c0_i32 = arith.constant 0 : i32
    %c0_i32_0 = arith.constant 0 : i32
    %c0_i32_1 = arith.constant 0 : i32
    return %c0_i32, %c0_i32_0 : i32, i32
  }
  func.func @transform_3(%arg0: i32) -> i32 {
    %c0_i32 = arith.constant 0 : i32
    return %arg0 : i32
  }
  func.func @transform_4(%arg0: i32) -> (i32, i32) {
    %c0_i32 = arith.constant 0 : i32
    %c0_i32_0 = arith.constant 0 : i32
    %c0_i32_1 = arith.constant 0 : i32
    return %c0_i32, %c0_i32_0 : i32, i32
  }
  func.func @transform_5(%arg0: i32) -> (i32, i32) {
    %c0_i32 = arith.constant 0 : i32
    %c0_i32_0 = arith.constant 0 : i32
    %c0_i32_1 = arith.constant 0 : i32
    return %c0_i32, %c0_i32_0 : i32, i32
  }
}

</mosaic_0001>

<sc_bundles>
// kernel: kernel.4.cloned.1.call-start
scs
__scs_entry_jumppad:
0x0: {  	(pc) =	sbr.rel $0x88, $3  }
0x1: {  	(tag) =	ssettag $0x0;
	lr =	simm.s32 $0x1  }
0x2: {  	[smem:$0x3F98] =	sst lr;
	_ =	strace $0xD0000000  }
0x3: {  	_ = 	snop  }
0x4: {  	_ = 	snop  }
0x5: {  	_ = 	snop  }
0x6: {  	_ = 	snop  }
0x7: {  	_ = 	snop  }
__scs_overlays_trampoline_lowered:
0x8: {  	[smem:$0x3FA7] =	sst s0  }
0x9: {  	[smem:$0x3FA8] =	sst s1  }
0xa: {  	[smem:$0x3FA9] =	sst s2  }
0xb: {  	[smem:$0x3FAA] =	sst s3  }
0xc: {  	[smem:$0x3FAB] =	sst s4  }
0xd: {  	[smem:$0x3FAC] =	sst s5  }
0xe: {  	[smem:$0x3FAD] =	sst s6  }
0xf: {  	[smem:$0x3FAE] =	sst s7  }
0x10: {  	[smem:$0x3FAF] =	sst s8  }
0x11: {  	[smem:$0x3FB0] =	sst s9;
	s0 =	simm.s32 @!p0 $0x0  }
0x12: {  	s1 =	sld [smem:$0x3F96];
	s0 =	simm.s32 @p0 $0x1  }
0x13: {  	[smem:$0x3FB1] =	sst s0;
	s0 =	simm.s32 @!p1 $0x0  }
0x14: {  	s2 =	sld [smem:$0x3F95];
	s0 =	simm.s32 @p1 $0x1  }
0x15: {  	[smem:$0x3FB2] =	sst s0;
	s0 =	simm.s32 @!p2 $0x0  }
0x16: {  	s3 =	sld [smem:$0x3FDB];
	s0 =	simm.s32 @p2 $0x1  }
0x17: {  	s4 =	simm.s32 $0x1BF5;
	[smem:$0x3FB4] =	sst s0  }
0x18: {  	s0 =	sld [smem:$0x3F97];
	_ =	swait.ge [sflag:s4], $0x0  }
0x19: {  	s7 =	sld [smem:$0x3F98]  }
0x1a: {  	s8 =	sadd.s32 $0xFFFFE003, lr  }
0x1b: {  	s9 =	sadd.s32 $0xFFFFFEF7, lr;
	s5 =	simm.s32 $0xFFFFFFFF;
	p2 =	slt.u32 s8, $0xFFFFF086  }
0x1c: {  	p1 =	slt.u32 s9, $0xF7A;
	s5 =	simm.s32 @!p2 $0x0  }
0x1d: {  	s5 =	simm.s32 @p1 $0x1;
	p0 =	seq.s32 s7, s2  }
0x1e: {  	s7 =	smul.u32 @!p0 $0xF7A, s2;
	p2 =	seq.s32 @!p0 s5, $0x0  }
0x1f: {  	s9 =	smul.u32 $0xF7A, s1;
	s8 =	simm.s32 @!p0 $0x1BF5;
	p2 =	por !p2, p0  }
0x20: {  	[sflag:s8] =	ssyncset.s32 @!p0 $0xFFFFF086;
	s6 =	sadd.s32 @!p0 s3, s7;
	s7 =	simm.s32 @!p0 $0x108  }
0x21: {  	s3 =	sadd.s32 s3, s9;
	s6 =	sadd.s32 @!p0 $0x88, s6;
	s7 =	simm.s32 @p2 $0x1082  }
0x22: {  	[simem:s7], [sflag:s8] =	dma.local @!p0 [hbm:s6], $0xF7A  }
0x23: {  	s9 =	sor.u32 $0xD0000000, s2;
	s6 =	simm.s32 $0x108;
	_ =	swait.ge @!p0 [sflag:s8], $0x0  }
0x24: {  	s3 =	sadd.s32 $0x88, s3;
	s6 =	simm.s32 @!p1 $0x1082;
	[sflag:s4] =	ssyncset.s32 $0xFFFFF086  }
0x25: {  	[simem:s6], [sflag:s4] =	dma.local [hbm:s3], $0xF7A  }
0x26: {  	[smem:$0x3F98] =	sst s1;
	(tag) =	ssettag s2;
	_ =	strace s9  }
0x27: {  	s1 =	sld [smem:$0x3FA8]  }
0x28: {  	s2 =	sld [smem:$0x3FA9]  }
0x29: {  	s4 =	sld [smem:$0x3FAB]  }
0x2a: {  	p0 =	seq.s32 s5, $0x0;
	s5 =	sld [smem:$0x3FAC]  }
0x2b: {  	s6 =	sld [smem:$0x3FAD]  }
0x2c: {  	s7 =	sld [smem:$0x3FAE]  }
0x2d: {  	s3 =	simm.s32 $0x108;
	s8 =	sld [smem:$0x3FAF]  }
0x2e: {  	s3 =	simm.s32 @!p0 $0x1082;
	s9 =	sld [smem:$0x3FB0]  }
0x2f: {  	lr =	sadd.s32 s0, s3;
	s0 =	sld [smem:$0x3FA7]  }
0x30: {  	s3 =	sld [smem:$0x3FAA]  }
0x31: {  	[smem:$0x3FB3] =	sst s10  }
0x32: {  	s10 =	sld [smem:$0x3FB1];
	_ =	sdelay $0x3  }
0x33: {  	p0 =	seq.s32 s10, $0x1;
	s10 =	sld [smem:$0x3FB3];
	_ =	sdelay $0x3  }
0x34: {  	[smem:$0x3FB3] =	sst s10  }
0x35: {  	s10 =	sld [smem:$0x3FB2];
	_ =	sdelay $0x3  }
0x36: {  	p1 =	seq.s32 s10, $0x1;
	s10 =	sld [smem:$0x3FB3];
	_ =	sdelay $0x3  }
0x37: {  	[smem:$0x3FB3] =	sst s10  }
0x38: {  	s10 =	sld [smem:$0x3FB4]  }
0x39: {  	_ = 	snop;
	(pc) =	sbr.ind lr, $3  }
0x3a: {  	_ = 	snop  }
0x3b: {  	_ = 	snop  }
0x3c: {  	p2 =	seq.s32 s10, $0x1;
	s10 =	sld [smem:$0x3FB3]  }
0x3d: {  	_ =	shalt  }
0x3e: {  	_ =	shalt  }
0x3f: {  	_ =	shalt  }
0x40: {  	_ =	shalt  }
0x41: {  	_ =	shalt  }
0x42: {  	_ =	shalt  }
0x43: {  	_ =	shalt  }
0x44: {  	_ =	shalt  }
0x45: {  	_ =	shalt  }
0x46: {  	_ =	shalt  }
0x47: {  	_ =	shalt  }
0x48: {  	_ =	shalt  }
0x49: {  	_ =	shalt  }
0x4a: {  	_ =	shalt  }
0x4b: {  	_ =	shalt  }
0x4c: {  	_ =	shalt  }
0x4d: {  	_ =	shalt  }
0x4e: {  	_ =	shalt  }
0x4f: {  	_ =	shalt  }
0x50: {  	_ =	shalt  }
0x51: {  	_ =	shalt  }
0x52: {  	_ =	shalt  }
0x53: {  	_ =	shalt  }
0x54: {  	_ =	shalt  }
0x55: {  	_ =	shalt  }
0x56: {  	_ =	shalt  }
0x57: {  	_ =	shalt  }
0x58: {  	_ =	shalt  }
0x59: {  	_ =	shalt  }
0x5a: {  	_ =	shalt  }
0x5b: {  	_ =	shalt  }
0x5c: {  	_ =	shalt  }
0x5d: {  	_ =	shalt  }
0x5e: {  	_ =	shalt  }
0x5f: {  	_ =	shalt  }
0x60: {  	_ =	shalt  }
0x61: {  	_ =	shalt  }
0x62: {  	_ =	shalt  }
0x63: {  	_ =	shalt  }
0x64: {  	_ =	shalt  }
0x65: {  	_ =	shalt  }
0x66: {  	_ =	shalt  }
0x67: {  	_ =	shalt  }
0x68: {  	_ =	shalt  }
0x69: {  	_ =	shalt  }
0x6a: {  	_ =	shalt  }
0x6b: {  	_ =	shalt  }
0x6c: {  	_ =	shalt  }
0x6d: {  	_ =	shalt  }
0x6e: {  	_ =	shalt  }
0x6f: {  	_ =	shalt  }
0x70: {  	_ =	shalt  }
0x71: {  	_ =	shalt  }
0x72: {  	_ =	shalt  }
0x73: {  	_ =	shalt  }
0x74: {  	_ =	shalt  }
0x75: {  	_ =	shalt  }
0x76: {  	_ =	shalt  }
0x77: {  	_ =	shalt  }
0x78: {  	_ =	shalt  }
0x79: {  	_ =	shalt  }
0x7a: {  	_ =	shalt  }
0x7b: {  	_ =	shalt  }
0x7c: {  	_ =	shalt  }
0x7d: {  	_ =	shalt  }
0x7e: {  	_ =	shalt  }
0x7f: {  	_ =	shalt  }
0x80: {  	_ =	shalt  }
0x81: {  	_ =	shalt  }
0x82: {  	_ =	shalt  }
0x83: {  	_ =	shalt  }
0x84: {  	_ =	shalt  }
0x85: {  	_ =	shalt  }
0x86: {  	_ =	shalt  }
0x87: {  	_ =	shalt  }
.Lfunc_end0:
.L_simem_size_0:
called_computation_lowered:
.L_overlay_start_0:
0x88: {  	s2 =	sld [smem:$0x3FD9]  }
0x89: {  	s3 =	sld [smem:$0x3FFE];
	_ =	sdelay $0x1  }
0x8a: {  	s1 =	srdreg.scid  }
0x8b: {  	s0 =	sand.u32 $0x1, s1  }
0x8c: {  	s14 =	sshll.u32 s0, $0xA;
	s2 =	sadd.s32 s3, s2  }
0x8d: {  	s2 =	sadd.s32 s2, s14  }
0x8e: {  	[smem:$0x3FBF] =	sst s2  }
0x8f: {  	_ = 	snop  }
0x90: {  	s2 =	sld [smem:$0x3FD0];
	_ =	sdelay $0x2  }
0x91: {  	s15 =	simm.s32 $0xA;
	s4 =	simm.s32 $0x10  }
0x92: {  	[smem:s4], [sflag:s15] =	dma.local [hbm:s2], $0x1  }
0x93: {  	_ =	swait.eq [sflag:s15], $0x1  }
0x94: {  	[sflag:s15] =	ssyncset.done $0x0  }
0x95: {  	[sflag:s15] =	ssyncadd.s32 $0xFFFFFFFF  }
0x96: {  	s16 =	sld [smem:$0x11];
	(tm) =	ssettm $0x1  }
0x97: {  	s17 =	sld [smem:$0x3FFB];
	_ =	sdelay $0x3  }
0x98: {  	_ =	strace s17  }
0x99: {  	s3 =	sld [smem:$0x3FFC];
	_ =	sdelay $0x3  }
0x9a: {  	_ =	strace s3  }
0x9b: {  	s3 =	sld [smem:$0x3FFD];
	_ =	sdelay $0x3  }
0x9c: {  	_ =	strace s3  }
0x9d: {  	_ =	strace $0x8FFFFFFF  }
0x9e: {  	s18 =	sld [smem:$0x3FDB];
	_ =	sdelay $0x1  }
0x9f: {  	s19 =	simm.s32 $_scs_section_size  }
0xa0: {  	s5 =	simm.s32 $_size__tile_overlayer_lowered;
	s6 =	simm.s32 $_tile_overlayer_lowered  }
0xa1: {  	s22 =	simm.s32 $0x1BFF;
	s21 =	sshll.u32 s6, $0x1;
	s3 =	sadd.s32 s19, s18  }
0xa2: {  	s7 =	simm.s32 $0x0;
	s20 =	sshll.u32 s5, $0x1;
	s5 =	sadd.s32 s21, s3  }
0xa3: {  	[timem:s7], [sflag:s22] =	dma.local [hbm:s5], s20  }
0xa4: {  	_ =	swait.ge [sflag:s22], s20  }
0xa5: {  	s4 =	ssub.s32 $0x0, s20;
	[sflag:s22] =	ssyncset.done $0x0  }
0xa6: {  	[sflag:s22] =	ssyncadd.s32 s4;
	_ =	sdelay $0x1  }
0xa7: {  	s23 =	simm.s32 $0x1B8B  }
0xa8: {  	_ =	swait.ge [sflag:s23], $0x1  }
0xa9: {  	[sflag:s23] =	ssyncset.done $0x0  }
0xaa: {  	s25 =	simm.s32 $0x1B8E;
	s24 =	sld [smem:$0x3FFE];
	[sflag:s23] =	ssyncadd.s32 $0xFFFFFFFF  }
0xab: {  	s26 =	simm.s32 $execute0_lowered;
	[smem:$0x3FD2] =	sst s25  }
0xac: {  	s5 =	sshll.u32 s26, $0x1;
	_ =	strace $0x80000046;
	[dreg:$0x1] =	wrdreg $0xFFFFFFFF  }
0xad: {  	s28 =	simm.s32 $_size_execute0_lowered;
	s3 =	sadd.s32 s3, s5;
	[dreg:$0x0] =	wrdreg $0x0  }
0xae: {  	s5 =	sshll.u32 s28, $0x1;
	[dreg:$0x2] =	wrdreg s3  }
0xaf: {  	[dreg:$0x3] =	wrdreg s5  }
0xb0: {  	[dreg:$0x4] =	wrdreg $0xC0  }
0xb1: {  	_ =	task [dreg:s7], $0x5FFFF  }
0xb2: {  	[dreg:$0x1] =	wrdreg $0xFFFFFFFF  }
0xb3: {  	[dreg:$0x0] =	wrdreg $0x60  }
0xb4: {  	[dreg:$0x2] =	wrdreg s16  }
0xb5: {  	[dreg:$0x3] =	wrdreg s24  }
0xb6: {  	[dreg:$0x4] =	wrdreg $0x0  }
0xb7: {  	[dreg:$0x5] =	wrdreg $0x9  }
0xb8: {  	_ =	task.clear_ibuf [dreg:s7], $0x6FFFF;
	_ =	strace $0x90000046  }
0xb9: {  	s29 =	simm.s32 $0x9;
	_ =	strace $0x80000048  }
0xba: {  	_ =	swait.ge [sflag:s29], $0x1  }
0xbb: {  	[sflag:s29] =	ssyncadd.s32 $0xFFFFFFFF  }
0xbc: {  	_ =	strace $0x90000048  }
0xbd: {  	_ =	sfence  }
0xbe: {  	s30 =	sld [smem:$0x0];
	_ =	sdelay $0x2  }
0xbf: {  	s31 =	sshll.u32 s1, $0xD;
	s1 =	sshrl.u32 s1, $0x2  }
0xc0: {  	s3 =	sand.u32 $0x4000, s31;
	s1 =	sadd.s32 s1, s30  }
0xc1: {  	s0 =	sor.u32 s3, s0;
	s1 =	sshll.u32 s1, $0x11  }
0xc2: {  	s0 =	sor.u32 s1, s0  }
0xc3: {  	s0 =	sadd.s32 $0x8F2B, s0  }
0xc4: {  	[sflag:s0] =	ssyncadd.remote.s32 $0x1  }
0xc5: {  	_ =	sfence.sel $0xFFFF  }
0xc6: {  	[dreg:$0x0] =	wrdreg $0xFFFFFFFF;
	(pc) =	sbr.abs _section_cstart, $3  }
0xc7: {  	[dreg:$0x1] =	wrdreg $0xFFFFFFFF  }
0xc8: {  	_ =	task.clear_ibuf [dreg:s7], $0x2FFFF;
	_ =	strace $0x9FFFFFFF  }
0xc9: {  	(tm) =	ssettm $0x7FFFFFFF  }
tec
execute0_lowered:
.L_overlay_start_1:
0x0: {  	(tag) =	ssettag $0x1  }
0x1: {  	s0 =	rddreg [dreg:$0x0]  }
0x2: {  	s3 =	rddreg [dreg:$0x1]  }
0x3: {  	s26 =	srdreg.scid;
	s4 =	stileid.u32  }
0x4: {  	s1 =	rddreg [dreg:$0x2];
	s29 =	sand.u32 $0x1, s26;
	s5 =	sshll.u32 s4, $0x1  }
0x5: {  	s2 =	simm.s32 $0x0;
	[dreg:$0x4] =	wrdreg s0;
	s11 =	sor.u32 s29, s5  }
0x6: {  	[smem:$0x7FF] =	sst s2;
	s5 =	sshll.u32 s11, $0x8  }
0x7: {  	s13 =	sadd.s32 $0x2000, s3;
	s6 =	smul.u32 $0x4800, s11;
	s5 =	sadd.s32 s3, s5  }
0x8: {  	p0 =	sne.s32 s4, $0x0;
	_ =	strace $0x80000047;
	[dreg:$0x5] =	wrdreg s5  }
0x9: {  	s4 =	simm.s32 @!p0 $0x1C04;
	s3 =	sadd.s32 s13, s6;
	s6 =	rddreg [dreg:$0x4]  }
0xa: {  	s5 =	simm.s32 @!p0 $0x4;
	[dreg:$0x6] =	wrdreg s3;
	s3 =	sshrl.u32 @!p0 s1, $0x3  }
0xb: {  	[spmem:s3], [sflag:s4] =	dma.local @!p0 [hbm:s6], $0x4000  }
0xc: {  	_ =	swait.ge @!p0 [sflag:s5], $0x4000  }
0xd: {  	[sflag:s5] =	ssyncset.done @!p0 $0x0  }
0xe: {  	[sflag:s5] =	ssyncadd.s32 @!p0 $0xFFFFC000  }
0xf: {  	[bflag:$0x0] =	sbarrier.arrive $0xFFFF  }
0x10: {  	s7 =	simm.s32 $0x4;
	s6 =	simm.s32 $0x2000;
	s8 =	rddreg [dreg:$0x5]  }
0x11: {  	[tilespmem:s6], [sflag:$0x4] =	stream.linear.gather [hbm4b:s8+s2], $0x480, $0x38;
	[tilespmem:$0xA800] =	vst v63  }
0x12: {  	_ =	swait.ge [sflag:s7], $0x480  }
0x13: {  	s9 =	simm.s32 $0x2800;
	[sflag:s7] =	ssyncset.done $0x0  }
0x14: {  	s10 =	simm.s32 $0x1;
	s8 =	simm.s32 $0x80;
	[sflag:s7] =	ssyncadd.s32 $0xFFFFFB80  }
0x15: {  	[tilespmem:s9], [sflag:$0x1] =	stream.indirect.gather [spmem:s1], $0x80, s6, s8, $0xb8;
	[tilespmem:$0xA800] =	vst v63  }
0x16: {  	_ =	swait.ge [sflag:s10], $0x4000  }
0x17: {  	[sflag:s10] =	ssyncset.done $0x0  }
0x18: {  	s12 =	rddreg [dreg:$0x6];
	[sflag:s10] =	ssyncadd.s32 $0xFFFFC000  }
0x19: {  	[hbm4b:s12+s2] =	stream.linear.scatter [tilespmem:s9], [sflag:$0x2], $0x4000, $0x38;
	[tilespmem:$0xA800] =	vst v63  }
0x1a: {  	s14 =	smul.u32 $0x24000, s11;
	s11 =	simm.s32 $0x2080;
	s12 =	simm.s32 $0x6800  }
0x1b: {  	[tilespmem:s12], [sflag:$0x1] =	stream.indirect.gather [spmem:s1], $0x80, s11, s8, $0xb8;
	[tilespmem:$0xA800] =	vst v63  }
0x1c: {  	s14 =	sshrl.u32 s14, $0x3;
	_ =	swait.ge [sflag:s10], $0x4000  }
0x1d: {  	s30 =	sadd.s32 s13, s14;
	[sflag:s10] =	ssyncset.done $0x0  }
0x1e: {  	s13 =	simm.s32 $0x2;
	s14 =	sadd.s32 $0x800, s30;
	[sflag:s10] =	ssyncadd.s32 $0xFFFFC000  }
0x1f: {  	[hbm4b:s14+s2] =	stream.linear.scatter [tilespmem:s12], [sflag:$0x3], $0x4000, $0x38;
	[tilespmem:$0xA800] =	vst v63  }
0x20: {  	_ =	swait.ge [sflag:s13], $0x4000  }
0x21: {  	[sflag:s13] =	ssyncset.done $0x0  }
0x22: {  	s15 =	simm.s32 $0x2100;
	[sflag:s13] =	ssyncadd.s32 $0xFFFFC000  }
0x23: {  	[tilespmem:s9], [sflag:$0x1] =	stream.indirect.gather [spmem:s1], $0x80, s15, s8, $0xb8;
	[tilespmem:$0xA800] =	vst v63  }
0x24: {  	_ =	swait.ge [sflag:s10], $0x4000  }
0x25: {  	[sflag:s10] =	ssyncset.done $0x0  }
0x26: {  	s17 =	simm.s32 $0x3;
	s16 =	sadd.s32 $0x1000, s30;
	[sflag:s10] =	ssyncadd.s32 $0xFFFFC000  }
0x27: {  	[hbm4b:s16+s2] =	stream.linear.scatter [tilespmem:s9], [sflag:$0x2], $0x4000, $0x38;
	[tilespmem:$0xA800] =	vst v63  }
0x28: {  	_ =	swait.ge [sflag:s17], $0x4000  }
0x29: {  	[sflag:s17] =	ssyncset.done $0x0  }
0x2a: {  	s18 =	simm.s32 $0x2180;
	[sflag:s17] =	ssyncadd.s32 $0xFFFFC000  }
0x2b: {  	[tilespmem:s12], [sflag:$0x1] =	stream.indirect.gather [spmem:s1], $0x80, s18, s8, $0xb8;
	[tilespmem:$0xA800] =	vst v63  }
0x2c: {  	_ =	swait.ge [sflag:s10], $0x4000  }
0x2d: {  	[sflag:s10] =	ssyncset.done $0x0  }
0x2e: {  	s19 =	sadd.s32 $0x1800, s30;
	[sflag:s10] =	ssyncadd.s32 $0xFFFFC000  }
0x2f: {  	[hbm4b:s19+s2] =	stream.linear.scatter [tilespmem:s12], [sflag:$0x3], $0x4000, $0x38;
	[tilespmem:$0xA800] =	vst v63  }
0x30: {  	_ =	swait.ge [sflag:s13], $0x4000  }
0x31: {  	[sflag:s13] =	ssyncset.done $0x0  }
0x32: {  	s20 =	simm.s32 $0x2200;
	[sflag:s13] =	ssyncadd.s32 $0xFFFFC000  }
0x33: {  	[tilespmem:s9], [sflag:$0x1] =	stream.indirect.gather [spmem:s1], $0x80, s20, s8, $0xb8;
	[tilespmem:$0xA800] =	vst v63  }
0x34: {  	_ =	swait.ge [sflag:s10], $0x4000  }
0x35: {  	[sflag:s10] =	ssyncset.done $0x0  }
0x36: {  	s21 =	sadd.s32 $0x2000, s30;
	[sflag:s10] =	ssyncadd.s32 $0xFFFFC000  }
0x37: {  	[hbm4b:s21+s2] =	stream.linear.scatter [tilespmem:s9], [sflag:$0x2], $0x4000, $0x38;
	[tilespmem:$0xA800] =	vst v63  }
0x38: {  	_ =	swait.ge [sflag:s17], $0x4000  }
0x39: {  	[sflag:s17] =	ssyncset.done $0x0  }
0x3a: {  	s22 =	simm.s32 $0x2280;
	[sflag:s17] =	ssyncadd.s32 $0xFFFFC000  }
0x3b: {  	[tilespmem:s12], [sflag:$0x1] =	stream.indirect.gather [spmem:s1], $0x80, s22, s8, $0xb8;
	[tilespmem:$0xA800] =	vst v63  }
0x3c: {  	_ =	swait.ge [sflag:s10], $0x4000  }
0x3d: {  	[sflag:s10] =	ssyncset.done $0x0  }
0x3e: {  	s23 =	sadd.s32 $0x2800, s30;
	[sflag:s10] =	ssyncadd.s32 $0xFFFFC000  }
0x3f: {  	[hbm4b:s23+s2] =	stream.linear.scatter [tilespmem:s12], [sflag:$0x3], $0x4000, $0x38;
	[tilespmem:$0xA800] =	vst v63  }
0x40: {  	_ =	swait.ge [sflag:s13], $0x4000  }
0x41: {  	[sflag:s13] =	ssyncset.done $0x0  }
0x42: {  	s24 =	simm.s32 $0x2300;
	[sflag:s13] =	ssyncadd.s32 $0xFFFFC000  }
0x43: {  	[tilespmem:s9], [sflag:$0x1] =	stream.indirect.gather [spmem:s1], $0x80, s24, s8, $0xb8;
	[tilespmem:$0xA800] =	vst v63  }
0x44: {  	_ =	swait.ge [sflag:s10], $0x4000  }
0x45: {  	[sflag:s10] =	ssyncset.done $0x0  }
0x46: {  	s25 =	sadd.s32 $0x3000, s30;
	[sflag:s10] =	ssyncadd.s32 $0xFFFFC000  }
0x47: {  	[hbm4b:s25+s2] =	stream.linear.scatter [tilespmem:s9], [sflag:$0x2], $0x4000, $0x38;
	[tilespmem:$0xA800] =	vst v63  }
0x48: {  	_ =	swait.ge [sflag:s17], $0x4000  }
0x49: {  	[sflag:s17] =	ssyncset.done $0x0  }
0x4a: {  	s26 =	simm.s32 $0x2380;
	[sflag:s17] =	ssyncadd.s32 $0xFFFFC000  }
0x4b: {  	[tilespmem:s12], [sflag:$0x1] =	stream.indirect.gather [spmem:s1], $0x80, s26, s8, $0xb8;
	[tilespmem:$0xA800] =	vst v63  }
0x4c: {  	s31 =	ssub.s32 $0x2, s29;
	_ =	swait.ge [sflag:s10], $0x4000  }
0x4d: {  	s0 =	sshrl.u32 s31, $0x1;
	[sflag:s10] =	ssyncset.done $0x0  }
0x4e: {  	s0 =	ssub.s32 s31, s0;
	s28 =	sadd.s32 $0x3800, s30;
	[sflag:s10] =	ssyncadd.s32 $0xFFFFC000  }
0x4f: {  	[hbm4b:s28+s2] =	stream.linear.scatter [tilespmem:s12], [sflag:$0x3], $0x4000, $0x38;
	[tilespmem:$0xA800] =	vst v63  }
0x50: {  	s0 =	smax.u32 s0, $0x1;
	_ =	swait.ge [sflag:s13], $0x4000  }
0x51: {  	s31 =	sadd.s32 $0xFFFFFFFF, s0;
	[sflag:s13] =	ssyncset.done $0x0  }
0x52: {  	s29 =	simm.s32 $0x2400;
	p1 =	sne.s32 s31, $0x0;
	[sflag:s13] =	ssyncadd.s32 $0xFFFFC000  }
0x53: {  	[tilespmem:s9], [sflag:$0x1] =	stream.indirect.gather [spmem:s1], $0x80, s29, s8, $0xb8;
	[tilespmem:$0xA800] =	vst v63  }
.Ltmp0:
0x54: {  	_ =	swait.ge [sflag:s10], $0x4000;
	(pc) =	sbr.rel @!p1 .LBB2_2-.Ltmp0, $4  }
0x55: {  	[sflag:s10] =	ssyncset.done $0x0  }
0x56: {  	s30 =	sadd.s32 $0x4000, s30;
	[sflag:s10] =	ssyncadd.s32 $0xFFFFC000  }
0x57: {  	[hbm4b:s30+s2] =	stream.linear.scatter [tilespmem:s9], [sflag:$0x2], $0x4000, $0x38;
	[tilespmem:$0xA800] =	vst v63  }
0x58: {  	_ =	swait.ge [sflag:s13], $0x4000  }
.LBB2_1:
0x59: {  	[sflag:s13] =	ssyncset.done $0x0  }
0x5a: {  	s0 =	rddreg [dreg:$0x4];
	[sflag:s13] =	ssyncadd.s32 $0xFFFFC000  }
0x5b: {  	[spmem:s3], [sflag:s4] =	dma.local @!p0 [hbm:s0], $0x4000  }
0x5c: {  	_ =	swait.ge @!p0 [sflag:s5], $0x4000  }
0x5d: {  	[sflag:s5] =	ssyncset.done @!p0 $0x0  }
0x5e: {  	[sflag:s5] =	ssyncadd.s32 @!p0 $0xFFFFC000  }
0x5f: {  	[bflag:$0x0] =	sbarrier.arrive $0xFFFF  }
0x60: {  	s0 =	rddreg [dreg:$0x5]  }
0x61: {  	[tilespmem:s6], [sflag:$0x4] =	stream.linear.gather [hbm4b:s0+s2], $0x480, $0x38;
	[tilespmem:$0xA800] =	vst v63  }
0x62: {  	_ =	swait.ge [sflag:s7], $0x480  }
0x63: {  	[sflag:s7] =	ssyncset.done $0x0  }
0x64: {  	[sflag:s7] =	ssyncadd.s32 $0xFFFFFB80  }
0x65: {  	[tilespmem:s9], [sflag:$0x1] =	stream.indirect.gather [spmem:s1], $0x80, s6, s8, $0xb8;
	[tilespmem:$0xA800] =	vst v63  }
0x66: {  	_ =	swait.ge [sflag:s10], $0x4000  }
0x67: {  	[sflag:s10] =	ssyncset.done $0x0  }
0x68: {  	s0 =	rddreg [dreg:$0x6];
	[sflag:s10] =	ssyncadd.s32 $0xFFFFC000  }
0x69: {  	[hbm4b:s0+s2] =	stream.linear.scatter [tilespmem:s9], [sflag:$0x2], $0x4000, $0x38;
	[tilespmem:$0xA800] =	vst v63  }
0x6a: {  	_ = 	snop  }
0x6b: {  	[tilespmem:s12], [sflag:$0x1] =	stream.indirect.gather [spmem:s1], $0x80, s11, s8, $0xb8;
	[tilespmem:$0xA800] =	vst v63  }
0x6c: {  	_ =	swait.ge [sflag:s10], $0x4000  }
0x6d: {  	[sflag:s10] =	ssyncset.done $0x0  }
0x6e: {  	[sflag:s10] =	ssyncadd.s32 $0xFFFFC000  }
0x6f: {  	[hbm4b:s14+s2] =	stream.linear.scatter [tilespmem:s12], [sflag:$0x3], $0x4000, $0x38;
	[tilespmem:$0xA800] =	vst v63  }
0x70: {  	_ =	swait.ge [sflag:s13], $0x4000  }
0x71: {  	[sflag:s13] =	ssyncset.done $0x0  }
0x72: {  	[sflag:s13] =	ssyncadd.s32 $0xFFFFC000  }
0x73: {  	[tilespmem:s9], [sflag:$0x1] =	stream.indirect.gather [spmem:s1], $0x80, s15, s8, $0xb8;
	[tilespmem:$0xA800] =	vst v63  }
0x74: {  	_ =	swait.ge [sflag:s10], $0x4000  }
0x75: {  	[sflag:s10] =	ssyncset.done $0x0  }
0x76: {  	[sflag:s10] =	ssyncadd.s32 $0xFFFFC000  }
0x77: {  	[hbm4b:s16+s2] =	stream.linear.scatter [tilespmem:s9], [sflag:$0x2], $0x4000, $0x38;
	[tilespmem:$0xA800] =	vst v63  }
0x78: {  	_ =	swait.ge [sflag:s17], $0x4000  }
0x79: {  	[sflag:s17] =	ssyncset.done $0x0  }
0x7a: {  	[sflag:s17] =	ssyncadd.s32 $0xFFFFC000  }
0x7b: {  	[tilespmem:s12], [sflag:$0x1] =	stream.indirect.gather [spmem:s1], $0x80, s18, s8, $0xb8;
	[tilespmem:$0xA800] =	vst v63  }
0x7c: {  	_ =	swait.ge [sflag:s10], $0x4000  }
0x7d: {  	[sflag:s10] =	ssyncset.done $0x0  }
0x7e: {  	[sflag:s10] =	ssyncadd.s32 $0xFFFFC000  }
0x7f: {  	[hbm4b:s19+s2] =	stream.linear.scatter [tilespmem:s12], [sflag:$0x3], $0x4000, $0x38;
	[tilespmem:$0xA800] =	vst v63  }
0x80: {  	_ =	swait.ge [sflag:s13], $0x4000  }
0x81: {  	[sflag:s13] =	ssyncset.done $0x0  }
0x82: {  	[sflag:s13] =	ssyncadd.s32 $0xFFFFC000  }
0x83: {  	[tilespmem:s9], [sflag:$0x1] =	stream.indirect.gather [spmem:s1], $0x80, s20, s8, $0xb8;
	[tilespmem:$0xA800] =	vst v63  }
0x84: {  	_ =	swait.ge [sflag:s10], $0x4000  }
0x85: {  	[sflag:s10] =	ssyncset.done $0x0  }
0x86: {  	[sflag:s10] =	ssyncadd.s32 $0xFFFFC000  }
0x87: {  	[hbm4b:s21+s2] =	stream.linear.scatter [tilespmem:s9], [sflag:$0x2], $0x4000, $0x38;
	[tilespmem:$0xA800] =	vst v63  }
0x88: {  	_ =	swait.ge [sflag:s17], $0x4000  }
0x89: {  	[sflag:s17] =	ssyncset.done $0x0  }
0x8a: {  	[sflag:s17] =	ssyncadd.s32 $0xFFFFC000  }
0x8b: {  	[tilespmem:s12], [sflag:$0x1] =	stream.indirect.gather [spmem:s1], $0x80, s22, s8, $0xb8;
	[tilespmem:$0xA800] =	vst v63  }
0x8c: {  	_ =	swait.ge [sflag:s10], $0x4000  }
0x8d: {  	[sflag:s10] =	ssyncset.done $0x0  }
0x8e: {  	[sflag:s10] =	ssyncadd.s32 $0xFFFFC000  }
0x8f: {  	[hbm4b:s23+s2] =	stream.linear.scatter [tilespmem:s12], [sflag:$0x3], $0x4000, $0x38;
	[tilespmem:$0xA800] =	vst v63  }
0x90: {  	_ =	swait.ge [sflag:s13], $0x4000  }
0x91: {  	[sflag:s13] =	ssyncset.done $0x0  }
0x92: {  	[sflag:s13] =	ssyncadd.s32 $0xFFFFC000  }
0x93: {  	[tilespmem:s9], [sflag:$0x1] =	stream.indirect.gather [spmem:s1], $0x80, s24, s8, $0xb8;
	[tilespmem:$0xA800] =	vst v63  }
0x94: {  	_ =	swait.ge [sflag:s10], $0x4000  }
0x95: {  	[sflag:s10] =	ssyncset.done $0x0  }
0x96: {  	[sflag:s10] =	ssyncadd.s32 $0xFFFFC000  }
0x97: {  	[hbm4b:s25+s2] =	stream.linear.scatter [tilespmem:s9], [sflag:$0x2], $0x4000, $0x38;
	[tilespmem:$0xA800] =	vst v63  }
0x98: {  	_ =	swait.ge [sflag:s17], $0x4000  }
0x99: {  	[sflag:s17] =	ssyncset.done $0x0  }
0x9a: {  	[sflag:s17] =	ssyncadd.s32 $0xFFFFC000  }
0x9b: {  	[tilespmem:s12], [sflag:$0x1] =	stream.indirect.gather [spmem:s1], $0x80, s26, s8, $0xb8;
	[tilespmem:$0xA800] =	vst v63  }
0x9c: {  	_ =	swait.ge [sflag:s10], $0x4000  }
0x9d: {  	[sflag:s10] =	ssyncset.done $0x0  }
0x9e: {  	[sflag:s10] =	ssyncadd.s32 $0xFFFFC000  }
0x9f: {  	[hbm4b:s28+s2] =	stream.linear.scatter [tilespmem:s12], [sflag:$0x3], $0x4000, $0x38;
	[tilespmem:$0xA800] =	vst v63  }
0xa0: {  	_ =	swait.ge [sflag:s13], $0x4000  }
0xa1: {  	s31 =	sadd.s32 $0xFFFFFFFF, s31;
	[sflag:s13] =	ssyncset.done $0x0  }
0xa2: {  	p1 =	sne.s32 s31, $0x0;
	[sflag:s13] =	ssyncadd.s32 $0xFFFFC000  }
0xa3: {  	[tilespmem:s9], [sflag:$0x1] =	stream.indirect.gather [spmem:s1], $0x80, s29, s8, $0xb8;
	[tilespmem:$0xA800] =	vst v63  }
.Ltmp1:
0xa4: {  	_ =	swait.ge [sflag:s10], $0x4000;
	(pc) =	sbr.rel @p1 .LBB2_1-.Ltmp1, $4  }
0xa5: {  	[sflag:s10] =	ssyncset.done $0x0  }
0xa6: {  	[sflag:s10] =	ssyncadd.s32 $0xFFFFC000  }
0xa7: {  	[hbm4b:s30+s2] =	stream.linear.scatter [tilespmem:s9], [sflag:$0x2], $0x4000, $0x38;
	[tilespmem:$0xA800] =	vst v63  }
0xa8: {  	_ =	swait.ge [sflag:s13], $0x4000  }
.LBB2_2:
0xa9: {  	[sflag:s13] =	ssyncset.done $0x0  }
0xaa: {  	[sflag:s13] =	ssyncadd.s32 $0xFFFFC000  }
0xab: {  	_ =	sfence.sel $0x180000  }
0xac: {  	[bflag:$0x0] =	sbarrier.arrive $0xFFFF  }
0xad: {  	_ =	strace $0x90000047  }
0xae: {  	[bflag:$0x2] =	sbarrier.arrive $0xFFFF  }
0xaf: {  	s0 =	rddreg [dreg:$0x3]  }
0xb0: {  	s0 =	sadd.s32 @!p0 $0x100000, s0  }
0xb1: {  	[sflag:s0] =	ssyncadd.tile.s32 @!p0 $0x1;
	_ =	shalt  }
.Lfunc_end2:
_tile_overlayer_lowered:
.L_overlay_start_2:
0xb2: {  	(tag) =	ssettag $0x2  }
0xb3: {  	s0 =	rddreg [dreg:$0x0];
	s2 =	stileid.u32  }
0xb4: {  	s1 =	rddreg [dreg:$0x1];
	p0 =	sne.s32 s2, $0x0  }
0xb5: {  	s3 =	rddreg [dreg:$0x2];
	[bflag:$0x3] =	sbarrier.arrive $0xFFFF;
	s2 =	simm.s32 @!p0 $0x1C04  }
0xb6: {  	[timem:s3], [sflag:s2] =	dma.local @!p0 [hbm:s0], s1  }
0xb7: {  	s0 =	simm.s32 @!p0 $0x4  }
0xb8: {  	_ =	swait.ge @!p0 [sflag:s0], s1  }
0xb9: {  	s1 =	ssub.s32 @!p0 $0x0, s1;
	[sflag:s0] =	ssyncset.done @!p0 $0x0  }
0xba: {  	[sflag:s0] =	ssyncadd.s32 @!p0 s1  }
0xbb: {  	[bflag:$0x3] =	sbarrier.arrive $0xFFFF  }
0xbc: {  	_ =	shalt  }

</sc_bundles>
